<compile_context>
chip_gen: v7x
topology: tpu7x:2x2x1
jax: 0.10.2.dev20260603
libtpu: 0.0.44.dev20260713+nightly
codegen_flags: <defaults>
</compile_context>

<pallas_src>
import jax
import jax.numpy as jnp
from jax import lax
from jax.experimental import pallas as pl
from jax.experimental.pallas import tpu as pltpu
from jax.experimental.pallas import tpu_sc as plsc

B, L, NBINS, D = 4, 512, 65, 128
NC, NS, LANES = 2, 16, 16
NW = NC * NS
ROWS = B * L * L
ROWS_PER_W = ROWS // NW
CHUNK = 256
CHUNKS_PER_W = ROWS_PER_W // CHUNK


def _relpos_body(table_hbm, res_hbm, out_hbm,
                 table_v, res_v, res_s, rows0, rows1, osem0, osem1, tsem):
    wid = lax.axis_index("s") * NC + lax.axis_index("c")
    tcopy = pltpu.async_copy(table_hbm, table_v, tsem)
    pltpu.sync_copy(res_hbm.at[pl.ds((wid // (NW // B)) * L, L)], res_v)

    def stage_smem(g, _):
        blk = res_v[pl.ds(g * LANES, LANES)]
        for t in range(LANES):
            res_s[g * LANES + t] = blk[t]
        return ()

    lax.fori_loop(0, L // LANES, stage_smem, ())
    tcopy.wait()
    rows = (rows0, rows1)
    osem = (osem0, osem1)

    def chunk_pair_body(c2, _):
        for p in range(2):
            c = c2 * 2 + p
            r0 = wid * ROWS_PER_W + c * CHUNK
            iloc = jnp.bitwise_and(lax.shift_right_logical(r0, 9), L - 1)
            j0 = jnp.bitwise_and(r0, L - 1)
            ri = res_s[iloc]

            @pl.when(c2 > 0)
            def _wait_prev():
                pltpu.make_async_copy(
                    rows[p], out_hbm.at[pl.ds(0, CHUNK * D)], osem[p]).wait()

            @plsc.parallel_loop(0, CHUNK, unroll=4)
            def row_body(r):
                rj = res_s[j0 + r]
                src = lax.shift_left(
                    lax.min(lax.max(ri - rj, -32), 32) + 32, 7)
                dst = lax.shift_left(r, 7)
                for k in range(D // LANES):
                    rows[p][pl.ds(dst + k * LANES, LANES)] = \
                        table_v[pl.ds(src + k * LANES, LANES)]

            pltpu.async_copy(
                rows[p], out_hbm.at[pl.ds(r0 * D, CHUNK * D)], osem[p])
        return ()

    lax.fori_loop(0, CHUNKS_PER_W // 2, chunk_pair_body, ())
    for p in range(2):
        pltpu.make_async_copy(
            rows[p], out_hbm.at[pl.ds(0, CHUNK * D)], osem[p]).wait()


@jax.jit
def kernel(res_id, W, b):
    table = (W.T + b[None, :]).reshape(-1)
    res_flat = res_id.reshape(-1).astype(jnp.int32)
    mesh = plsc.VectorSubcoreMesh(
        core_axis_name="c", subcore_axis_name="s", num_cores=NC, num_subcores=NS
    )
    out = pl.kernel(
        _relpos_body,
        out_type=jax.ShapeDtypeStruct((ROWS * D,), jnp.float32),
        mesh=mesh,
        compiler_params=pltpu.CompilerParams(needs_layout_passes=False),
        scratch_types=[
            pltpu.VMEM((NBINS * D,), jnp.float32),
            pltpu.VMEM((L,), jnp.int32),
            pltpu.SMEM((L,), jnp.int32),
            pltpu.VMEM((CHUNK * D,), jnp.float32),
            pltpu.VMEM((CHUNK * D,), jnp.float32),
            pltpu.SemaphoreType.DMA,
            pltpu.SemaphoreType.DMA,
            pltpu.SemaphoreType.DMA,
        ],
    )(table, res_flat)
    return out.reshape(B, L, L, D)

# --- scband reference (transcript-rebuilt; emitter-appended) ---
"""Pipeline reference for scband-relpos-49727131353920 (READ-ONLY COPY).

The authoritative reference and input builder live on the scoring server;
editing this copy changes nothing except your own understanding.
"""

import jax, jax.numpy as jnp
import numpy as np


def setup_inputs(seed: int = 0) -> dict:
    key = jax.random.key(seed)
    k1, k2, k3 = jax.random.split(key, 3)
    res_id = jax.random.randint(k1, (4, 512), 0, 1000)
    # nn.Linear(65, 128): weight [128, 65], bias [128]
    W = jax.random.normal(k2, (128, 65), dtype=jnp.float32) * (1.0 / np.sqrt(65.0))
    b = jax.random.normal(k3, (128,), dtype=jnp.float32) * 0.01
    return {"res_id": res_id, "W": W, "b": b}


def reference(res_id, W, b):
    # relative position differences, clipped to [-32, 32]
    bin_values = jnp.arange(-32, 33)
    d = res_id[:, :, None] - res_id[:, None, :]
    d = jnp.minimum(jnp.maximum(jnp.array(-32), d), jnp.array(32))
    # one-hot over 65 bins (gather-style encoding)
    d_onehot = (d[..., None] == bin_values).astype(jnp.float32)
    # linear projection: [B, L, L, 65] @ [65, 128] + [128]
    p = jnp.einsum('blmc,dc->blmd', d_onehot, W) + b
    return p

if __name__ == "__main__":
    import jax
    _d = setup_inputs()
    print(jax.jit(kernel)(*tuple(_d.values())))

</pallas_src>

<mosaic_0001>
#map = affine_map<(d0, d1) -> (0)>
module attributes {stable_mosaic.version = 14 : i64} {
  func.func @_relpos_body(%arg0: i32, %arg1: i32, %arg2: memref<8320xf32, #tpu.memory_space<hbm>>, %arg3: memref<2048xi32, #tpu.memory_space<hbm>>, %arg4: memref<134217728xf32, #tpu.memory_space<hbm>>, %arg5: memref<8320xf32, #tpu.memory_space<vmem>>, %arg6: memref<512xi32, #tpu.memory_space<vmem>>, %arg7: memref<512xi32, #tpu.memory_space<smem>>, %arg8: memref<32768xf32, #tpu.memory_space<vmem>>, %arg9: memref<32768xf32, #tpu.memory_space<vmem>>, %arg10: memref<!tpu.dma_semaphore, #tpu.memory_space<semaphore_mem>>, %arg11: memref<!tpu.dma_semaphore, #tpu.memory_space<semaphore_mem>>, %arg12: memref<!tpu.dma_semaphore, #tpu.memory_space<semaphore_mem>>) attributes {dimension_semantics = [#tpu.dimension_semantics<core_parallel>, #tpu.dimension_semantics<subcore_parallel>], iteration_bounds = array<i64: 2, 16>, scalar_prefetch = 0 : i64, scratch_operands = 8 : i64, tpu.core_type = #tpu.core_type<sc_vector_subcore>, window_params = [{transform_indices = #map}, {transform_indices = #map}, {transform_indices = #map}]} {
    %mul3A = arith.constant 2 : i32
    %mul3A_0 = arith.muli %arg1, %mul3A : i32
    %add3A = arith.addi %mul3A_0, %arg0 : i32
    tpu.enqueue_dma source(%arg2 : memref<8320xf32, #tpu.memory_space<hbm>>) target(%arg5 : memref<8320xf32, #tpu.memory_space<vmem>>) target_semaphore(%arg12 : memref<!tpu.dma_semaphore, #tpu.memory_space<semaphore_mem>>)
    %jit3A = arith.constant 8 : i32
    %div3A = arith.divsi %add3A, %jit3A : i32
    %sign3A = arith.constant 0 : i32
    %sign3A_1 = arith.cmpi sgt, %add3A, %sign3A : i32
    %sign3A_2 = arith.extui %sign3A_1 : i1 to i32
    %sign3A_3 = arith.constant 0 : i32
    %sign3A_4 = arith.cmpi slt, %add3A, %sign3A_3 : i32
    %sign3A_5 = arith.extui %sign3A_4 : i1 to i32
    %sign3A_6 = arith.subi %sign3A_2, %sign3A_5 : i32
    %sign3A_7 = arith.constant 0 : i32
    %sign3A_8 = arith.cmpi sgt, %jit3A, %sign3A_7 : i32
    %sign3A_9 = arith.extui %sign3A_8 : i1 to i32
    %sign3A_10 = arith.constant 0 : i32
    %sign3A_11 = arith.cmpi slt, %jit3A, %sign3A_10 : i32
    %sign3A_12 = arith.extui %sign3A_11 : i1 to i32
    %sign3A_13 = arith.subi %sign3A_9, %sign3A_12 : i32
    %ne3A = arith.cmpi ne, %sign3A_6, %sign3A_13 : i32
    %rem3A = arith.remsi %add3A, %jit3A : i32
    %ne3A_14 = arith.constant 0 : i32
    %ne3A_15 = arith.cmpi ne, %rem3A, %ne3A_14 : i32
    %and3A = arith.andi %ne3A, %ne3A_15 : i1
    %sub3A = arith.constant 1 : i32
    %sub3A_16 = arith.subi %div3A, %sub3A : i32
    %select_n3A = arith.select %and3A, %sub3A_16, %div3A : i32
    %mul3A_17 = arith.constant 512 : i32
    %mul3A_18 = arith.muli %select_n3A, %mul3A_17 : i32
    "tpu.region"() ({
      %run_scoped3A = tpu.sem_alloc : memref<!tpu.dma_semaphore, #tpu.memory_space<semaphore_mem>>
      %dma_start3A = tpu.memref_slice %arg3[%mul3A_18] : memref<2048xi32, #tpu.memory_space<hbm>> -> memref<512xi32, #tpu.memory_space<hbm>>
      %dma_start3A_35 = tpu.memref_slice %arg3[%mul3A_18] : memref<2048xi32, #tpu.memory_space<hbm>> -> memref<512xi32, #tpu.memory_space<hbm>>
      tpu.enqueue_dma source(%dma_start3A_35 : memref<512xi32, #tpu.memory_space<hbm>>) target(%arg6 : memref<512xi32, #tpu.memory_space<vmem>>) target_semaphore(%run_scoped3A : memref<!tpu.dma_semaphore, #tpu.memory_space<semaphore_mem>>)
      %dma_wait3A_36 = tpu.memref_slice %arg3[%mul3A_18] : memref<2048xi32, #tpu.memory_space<hbm>> -> memref<512xi32, #tpu.memory_space<hbm>>
      %dma_wait3A_37 = tpu.memref_slice %arg3[%mul3A_18] : memref<2048xi32, #tpu.memory_space<hbm>> -> memref<512xi32, #tpu.memory_space<hbm>>
      tpu.wait_dma2 semaphore(%run_scoped3A : memref<!tpu.dma_semaphore, #tpu.memory_space<semaphore_mem>>) src(%dma_wait3A_37 : memref<512xi32, #tpu.memory_space<hbm>>) dst(%arg6 : memref<512xi32, #tpu.memory_space<vmem>>)
      tpu.yield
    }) : () -> ()
    %scan3A = arith.constant 0 : i32
    %scan3A_19 = arith.constant 32 : i32
    %scan3A_20 = arith.addi %scan3A, %scan3A_19 : i32
    %scan3A_21 = arith.constant 1 : i32
    scf.for %scan3A_35 = %scan3A to %scan3A_20 step %scan3A_21  : i32 {
      %mul3A_36 = arith.constant 16 : i32
      %mul3A_37 = arith.muli %scan3A_35, %mul3A_36 : i32
      %get3A = arith.index_cast %mul3A_37 : i32 to index
      %get3A_38 = tpu.vector_load %arg6[%get3A] {strides = array<i32>} : memref<512xi32, #tpu.memory_space<vmem>>, vector<16xi32>,
      %slice3A = vector.extract_strided_slice %get3A_38 {offsets = [0], sizes = [1], strides = [1]} : vector<16xi32> to vector<1xi32>
      %squeeze3A = vector.extract %slice3A[0] : i32 from vector<1xi32>
      %mul3A_39 = arith.constant 16 : i32
      %mul3A_40 = arith.muli %scan3A_35, %mul3A_39 : i32
      %add3A_41 = arith.constant 0 : i32
      %add3A_42 = arith.addi %mul3A_40, %add3A_41 : i32
      %swap3A = arith.index_cast %add3A_42 : i32 to index
      %swap3A_43 = memref.load %arg7[%swap3A] : memref<512xi32, #tpu.memory_space<smem>>
      memref.store %squeeze3A, %arg7[%swap3A] : memref<512xi32, #tpu.memory_space<smem>>
      %slice3A_44 = vector.extract_strided_slice %get3A_38 {offsets = [1], sizes = [1], strides = [1]} : vector<16xi32> to vector<1xi32>
      %squeeze3A_45 = vector.extract %slice3A_44[0] : i32 from vector<1xi32>
      %mul3A_46 = arith.constant 16 : i32
      %mul3A_47 = arith.muli %scan3A_35, %mul3A_46 : i32
      %add3A_48 = arith.constant 1 : i32
      %add3A_49 = arith.addi %mul3A_47, %add3A_48 : i32
      %swap3A_50 = arith.index_cast %add3A_49 : i32 to index
      %swap3A_51 = memref.load %arg7[%swap3A_50] : memref<512xi32, #tpu.memory_space<smem>>
      memref.store %squeeze3A_45, %arg7[%swap3A_50] : memref<512xi32, #tpu.memory_space<smem>>
      %slice3A_52 = vector.extract_strided_slice %get3A_38 {offsets = [2], sizes = [1], strides = [1]} : vector<16xi32> to vector<1xi32>
      %squeeze3A_53 = vector.extract %slice3A_52[0] : i32 from vector<1xi32>
      %mul3A_54 = arith.constant 16 : i32
      %mul3A_55 = arith.muli %scan3A_35, %mul3A_54 : i32
      %add3A_56 = arith.constant 2 : i32
      %add3A_57 = arith.addi %mul3A_55, %add3A_56 : i32
      %swap3A_58 = arith.index_cast %add3A_57 : i32 to index
      %swap3A_59 = memref.load %arg7[%swap3A_58] : memref<512xi32, #tpu.memory_space<smem>>
      memref.store %squeeze3A_53, %arg7[%swap3A_58] : memref<512xi32, #tpu.memory_space<smem>>
      %slice3A_60 = vector.extract_strided_slice %get3A_38 {offsets = [3], sizes = [1], strides = [1]} : vector<16xi32> to vector<1xi32>
      %squeeze3A_61 = vector.extract %slice3A_60[0] : i32 from vector<1xi32>
      %mul3A_62 = arith.constant 16 : i32
      %mul3A_63 = arith.muli %scan3A_35, %mul3A_62 : i32
      %add3A_64 = arith.constant 3 : i32
      %add3A_65 = arith.addi %mul3A_63, %add3A_64 : i32
      %swap3A_66 = arith.index_cast %add3A_65 : i32 to index
      %swap3A_67 = memref.load %arg7[%swap3A_66] : memref<512xi32, #tpu.memory_space<smem>>
      memref.store %squeeze3A_61, %arg7[%swap3A_66] : memref<512xi32, #tpu.memory_space<smem>>
      %slice3A_68 = vector.extract_strided_slice %get3A_38 {offsets = [4], sizes = [1], strides = [1]} : vector<16xi32> to vector<1xi32>
      %squeeze3A_69 = vector.extract %slice3A_68[0] : i32 from vector<1xi32>
      %mul3A_70 = arith.constant 16 : i32
      %mul3A_71 = arith.muli %scan3A_35, %mul3A_70 : i32
      %add3A_72 = arith.constant 4 : i32
      %add3A_73 = arith.addi %mul3A_71, %add3A_72 : i32
      %swap3A_74 = arith.index_cast %add3A_73 : i32 to index
      %swap3A_75 = memref.load %arg7[%swap3A_74] : memref<512xi32, #tpu.memory_space<smem>>
      memref.store %squeeze3A_69, %arg7[%swap3A_74] : memref<512xi32, #tpu.memory_space<smem>>
      %slice3A_76 = vector.extract_strided_slice %get3A_38 {offsets = [5], sizes = [1], strides = [1]} : vector<16xi32> to vector<1xi32>
      %squeeze3A_77 = vector.extract %slice3A_76[0] : i32 from vector<1xi32>
      %mul3A_78 = arith.constant 16 : i32
      %mul3A_79 = arith.muli %scan3A_35, %mul3A_78 : i32
      %add3A_80 = arith.constant 5 : i32
      %add3A_81 = arith.addi %mul3A_79, %add3A_80 : i32
      %swap3A_82 = arith.index_cast %add3A_81 : i32 to index
      %swap3A_83 = memref.load %arg7[%swap3A_82] : memref<512xi32, #tpu.memory_space<smem>>
      memref.store %squeeze3A_77, %arg7[%swap3A_82] : memref<512xi32, #tpu.memory_space<smem>>
      %slice3A_84 = vector.extract_strided_slice %get3A_38 {offsets = [6], sizes = [1], strides = [1]} : vector<16xi32> to vector<1xi32>
      %squeeze3A_85 = vector.extract %slice3A_84[0] : i32 from vector<1xi32>
      %mul3A_86 = arith.constant 16 : i32
      %mul3A_87 = arith.muli %scan3A_35, %mul3A_86 : i32
      %add3A_88 = arith.constant 6 : i32
      %add3A_89 = arith.addi %mul3A_87, %add3A_88 : i32
      %swap3A_90 = arith.index_cast %add3A_89 : i32 to index
      %swap3A_91 = memref.load %arg7[%swap3A_90] : memref<512xi32, #tpu.memory_space<smem>>
      memref.store %squeeze3A_85, %arg7[%swap3A_90] : memref<512xi32, #tpu.memory_space<smem>>
      %slice3A_92 = vector.extract_strided_slice %get3A_38 {offsets = [7], sizes = [1], strides = [1]} : vector<16xi32> to vector<1xi32>
      %squeeze3A_93 = vector.extract %slice3A_92[0] : i32 from vector<1xi32>
      %mul3A_94 = arith.constant 16 : i32
      %mul3A_95 = arith.muli %scan3A_35, %mul3A_94 : i32
      %add3A_96 = arith.constant 7 : i32
      %add3A_97 = arith.addi %mul3A_95, %add3A_96 : i32
      %swap3A_98 = arith.index_cast %add3A_97 : i32 to index
      %swap3A_99 = memref.load %arg7[%swap3A_98] : memref<512xi32, #tpu.memory_space<smem>>
      memref.store %squeeze3A_93, %arg7[%swap3A_98] : memref<512xi32, #tpu.memory_space<smem>>
      %slice3A_100 = vector.extract_strided_slice %get3A_38 {offsets = [8], sizes = [1], strides = [1]} : vector<16xi32> to vector<1xi32>
      %squeeze3A_101 = vector.extract %slice3A_100[0] : i32 from vector<1xi32>
      %mul3A_102 = arith.constant 16 : i32
      %mul3A_103 = arith.muli %scan3A_35, %mul3A_102 : i32
      %add3A_104 = arith.constant 8 : i32
      %add3A_105 = arith.addi %mul3A_103, %add3A_104 : i32
      %swap3A_106 = arith.index_cast %add3A_105 : i32 to index
      %swap3A_107 = memref.load %arg7[%swap3A_106] : memref<512xi32, #tpu.memory_space<smem>>
      memref.store %squeeze3A_101, %arg7[%swap3A_106] : memref<512xi32, #tpu.memory_space<smem>>
      %slice3A_108 = vector.extract_strided_slice %get3A_38 {offsets = [9], sizes = [1], strides = [1]} : vector<16xi32> to vector<1xi32>
      %squeeze3A_109 = vector.extract %slice3A_108[0] : i32 from vector<1xi32>
      %mul3A_110 = arith.constant 16 : i32
      %mul3A_111 = arith.muli %scan3A_35, %mul3A_110 : i32
      %add3A_112 = arith.constant 9 : i32
      %add3A_113 = arith.addi %mul3A_111, %add3A_112 : i32
      %swap3A_114 = arith.index_cast %add3A_113 : i32 to index
      %swap3A_115 = memref.load %arg7[%swap3A_114] : memref<512xi32, #tpu.memory_space<smem>>
      memref.store %squeeze3A_109, %arg7[%swap3A_114] : memref<512xi32, #tpu.memory_space<smem>>
      %slice3A_116 = vector.extract_strided_slice %get3A_38 {offsets = [10], sizes = [1], strides = [1]} : vector<16xi32> to vector<1xi32>
      %squeeze3A_117 = vector.extract %slice3A_116[0] : i32 from vector<1xi32>
      %mul3A_118 = arith.constant 16 : i32
      %mul3A_119 = arith.muli %scan3A_35, %mul3A_118 : i32
      %add3A_120 = arith.constant 10 : i32
      %add3A_121 = arith.addi %mul3A_119, %add3A_120 : i32
      %swap3A_122 = arith.index_cast %add3A_121 : i32 to index
      %swap3A_123 = memref.load %arg7[%swap3A_122] : memref<512xi32, #tpu.memory_space<smem>>
      memref.store %squeeze3A_117, %arg7[%swap3A_122] : memref<512xi32, #tpu.memory_space<smem>>
      %slice3A_124 = vector.extract_strided_slice %get3A_38 {offsets = [11], sizes = [1], strides = [1]} : vector<16xi32> to vector<1xi32>
      %squeeze3A_125 = vector.extract %slice3A_124[0] : i32 from vector<1xi32>
      %mul3A_126 = arith.constant 16 : i32
      %mul3A_127 = arith.muli %scan3A_35, %mul3A_126 : i32
      %add3A_128 = arith.constant 11 : i32
      %add3A_129 = arith.addi %mul3A_127, %add3A_128 : i32
      %swap3A_130 = arith.index_cast %add3A_129 : i32 to index
      %swap3A_131 = memref.load %arg7[%swap3A_130] : memref<512xi32, #tpu.memory_space<smem>>
      memref.store %squeeze3A_125, %arg7[%swap3A_130] : memref<512xi32, #tpu.memory_space<smem>>
      %slice3A_132 = vector.extract_strided_slice %get3A_38 {offsets = [12], sizes = [1], strides = [1]} : vector<16xi32> to vector<1xi32>
      %squeeze3A_133 = vector.extract %slice3A_132[0] : i32 from vector<1xi32>
      %mul3A_134 = arith.constant 16 : i32
      %mul3A_135 = arith.muli %scan3A_35, %mul3A_134 : i32
      %add3A_136 = arith.constant 12 : i32
      %add3A_137 = arith.addi %mul3A_135, %add3A_136 : i32
      %swap3A_138 = arith.index_cast %add3A_137 : i32 to index
      %swap3A_139 = memref.load %arg7[%swap3A_138] : memref<512xi32, #tpu.memory_space<smem>>
      memref.store %squeeze3A_133, %arg7[%swap3A_138] : memref<512xi32, #tpu.memory_space<smem>>
      %slice3A_140 = vector.extract_strided_slice %get3A_38 {offsets = [13], sizes = [1], strides = [1]} : vector<16xi32> to vector<1xi32>
      %squeeze3A_141 = vector.extract %slice3A_140[0] : i32 from vector<1xi32>
      %mul3A_142 = arith.constant 16 : i32
      %mul3A_143 = arith.muli %scan3A_35, %mul3A_142 : i32
      %add3A_144 = arith.constant 13 : i32
      %add3A_145 = arith.addi %mul3A_143, %add3A_144 : i32
      %swap3A_146 = arith.index_cast %add3A_145 : i32 to index
      %swap3A_147 = memref.load %arg7[%swap3A_146] : memref<512xi32, #tpu.memory_space<smem>>
      memref.store %squeeze3A_141, %arg7[%swap3A_146] : memref<512xi32, #tpu.memory_space<smem>>
      %slice3A_148 = vector.extract_strided_slice %get3A_38 {offsets = [14], sizes = [1], strides = [1]} : vector<16xi32> to vector<1xi32>
      %squeeze3A_149 = vector.extract %slice3A_148[0] : i32 from vector<1xi32>
      %mul3A_150 = arith.constant 16 : i32
      %mul3A_151 = arith.muli %scan3A_35, %mul3A_150 : i32
      %add3A_152 = arith.constant 14 : i32
      %add3A_153 = arith.addi %mul3A_151, %add3A_152 : i32
      %swap3A_154 = arith.index_cast %add3A_153 : i32 to index
      %swap3A_155 = memref.load %arg7[%swap3A_154] : memref<512xi32, #tpu.memory_space<smem>>
      memref.store %squeeze3A_149, %arg7[%swap3A_154] : memref<512xi32, #tpu.memory_space<smem>>
      %slice3A_156 = vector.extract_strided_slice %get3A_38 {offsets = [15], sizes = [1], strides = [1]} : vector<16xi32> to vector<1xi32>
      %squeeze3A_157 = vector.extract %slice3A_156[0] : i32 from vector<1xi32>
      %mul3A_158 = arith.constant 16 : i32
      %mul3A_159 = arith.muli %scan3A_35, %mul3A_158 : i32
      %add3A_160 = arith.constant 15 : i32
      %add3A_161 = arith.addi %mul3A_159, %add3A_160 : i32
      %swap3A_162 = arith.index_cast %add3A_161 : i32 to index
      %swap3A_163 = memref.load %arg7[%swap3A_162] : memref<512xi32, #tpu.memory_space<smem>>
      memref.store %squeeze3A_157, %arg7[%swap3A_162] : memref<512xi32, #tpu.memory_space<smem>>
    }
    %scan3A_22 = arith.constant 32 : i32
    tpu.wait_dma2 semaphore(%arg12 : memref<!tpu.dma_semaphore, #tpu.memory_space<semaphore_mem>>) src(%arg2 : memref<8320xf32, #tpu.memory_space<hbm>>) dst(%arg5 : memref<8320xf32, #tpu.memory_space<vmem>>)
    %scan3A_23 = arith.constant 0 : i32
    %scan3A_24 = arith.constant 64 : i32
    %scan3A_25 = arith.addi %scan3A_23, %scan3A_24 : i32
    %scan3A_26 = arith.constant 1 : i32
    scf.for %scan3A_35 = %scan3A_23 to %scan3A_25 step %scan3A_26  : i32 {
      %mul3A_36 = arith.constant 2 : i32
      %mul3A_37 = arith.muli %scan3A_35, %mul3A_36 : i32
      %add3A_38 = arith.constant 0 : i32
      %add3A_39 = arith.addi %mul3A_37, %add3A_38 : i32
      %mul3A_40 = arith.constant 32768 : i32
      %mul3A_41 = arith.muli %add3A, %mul3A_40 : i32
      %mul3A_42 = arith.constant 256 : i32
      %mul3A_43 = arith.muli %add3A_39, %mul3A_42 : i32
      %add3A_44 = arith.addi %mul3A_41, %mul3A_43 : i32
      %shift_right_logical3A = arith.constant 9 : i32
      %shift_right_logical3A_45 = arith.shrui %add3A_44, %shift_right_logical3A : i32
      %and3A_46 = arith.constant 511 : i32
      %and3A_47 = arith.andi %shift_right_logical3A_45, %and3A_46 : i32
      %and3A_48 = arith.constant 511 : i32
      %and3A_49 = arith.andi %add3A_44, %and3A_48 : i32
      %get3A = arith.index_cast %and3A_47 : i32 to index
      %get3A_50 = memref.load %arg7[%get3A] : memref<512xi32, #tpu.memory_space<smem>>
      %gt3A = arith.constant 0 : i32
      %gt3A_51 = arith.cmpi sgt, %scan3A_35, %gt3A : i32
      %convert_element_type3A = arith.extui %gt3A_51 : i1 to i32
      %cond3A = arith.constant 0 : i32
      %cond3A_52 = arith.cmpi ne, %convert_element_type3A, %cond3A : i32
      scf.if %cond3A_52 {
        %dma_wait3A_87 = arith.constant 0 : i32
        %dma_wait3A_88 = tpu.memref_slice %arg4[%dma_wait3A_87] : memref<134217728xf32, #tpu.memory_space<hbm>> -> memref<32768xf32, #tpu.memory_space<hbm>>
        %dma_wait3A_89 = arith.constant 0 : i32
        %dma_wait3A_90 = tpu.memref_slice %arg4[%dma_wait3A_89] : memref<134217728xf32, #tpu.memory_space<hbm>> -> memref<32768xf32, #tpu.memory_space<hbm>>
        tpu.wait_dma2 semaphore(%arg10 : memref<!tpu.dma_semaphore, #tpu.memory_space<semaphore_mem>>) src(%arg8 : memref<32768xf32, #tpu.memory_space<vmem>>) dst(%dma_wait3A_90 : memref<32768xf32, #tpu.memory_space<hbm>>)
      } else {
      }
      %parallel_loop3A = arith.constant 0 : i32
      %parallel_loop3A_53 = arith.constant 256 : i32
      %parallel_loop3A_54 = arith.constant 1 : i32
      scf.for %parallel_loop3A_87 = %parallel_loop3A to %parallel_loop3A_53 step %parallel_loop3A_54  : i32 {
        %parallel_loop3A_88 = arith.addi %and3A_49, %parallel_loop3A_87 : i32
        %parallel_loop3A_89 = arith.index_cast %parallel_loop3A_88 : i32 to index
        %parallel_loop3A_90 = memref.load %arg7[%parallel_loop3A_89] : memref<512xi32, #tpu.memory_space<smem>>
        %parallel_loop3A_91 = arith.subi %get3A_50, %parallel_loop3A_90 : i32
        %parallel_loop3A_92 = arith.constant -32 : i32
        %parallel_loop3A_93 = arith.maxsi %parallel_loop3A_91, %parallel_loop3A_92 : i32
        %parallel_loop3A_94 = arith.constant 32 : i32
        %parallel_loop3A_95 = arith.minsi %parallel_loop3A_93, %parallel_loop3A_94 : i32
        %parallel_loop3A_96 = arith.constant 32 : i32
        %parallel_loop3A_97 = arith.addi %parallel_loop3A_95, %parallel_loop3A_96 : i32
        %parallel_loop3A_98 = arith.constant 7 : i32
        %parallel_loop3A_99 = arith.shli %parallel_loop3A_97, %parallel_loop3A_98 : i32
        %parallel_loop3A_100 = arith.constant 7 : i32
        %parallel_loop3A_101 = arith.shli %parallel_loop3A_87, %parallel_loop3A_100 : i32
        %parallel_loop3A_102 = arith.constant 0 : i32
        %parallel_loop3A_103 = arith.addi %parallel_loop3A_99, %parallel_loop3A_102 : i32
        %parallel_loop3A_104 = arith.index_cast %parallel_loop3A_103 : i32 to index
        %parallel_loop3A_105 = tpu.vector_load %arg5[%parallel_loop3A_104] {strides = array<i32>} : memref<8320xf32, #tpu.memory_space<vmem>>, vector<16xf32>,
        %parallel_loop3A_106 = arith.constant 0 : i32
        %parallel_loop3A_107 = arith.addi %parallel_loop3A_101, %parallel_loop3A_106 : i32
        %parallel_loop3A_108 = arith.index_cast %parallel_loop3A_107 : i32 to index
        %parallel_loop3A_109 = tpu.vector_load %arg8[%parallel_loop3A_108] {strides = array<i32>} : memref<32768xf32, #tpu.memory_space<vmem>>, vector<16xf32>,
        tpu.vector_store %arg8[%parallel_loop3A_108], %parallel_loop3A_105 {strides = array<i32>} : memref<32768xf32, #tpu.memory_space<vmem>>, vector<16xf32>,
        %parallel_loop3A_110 = arith.constant 16 : i32
        %parallel_loop3A_111 = arith.addi %parallel_loop3A_99, %parallel_loop3A_110 : i32
        %parallel_loop3A_112 = arith.index_cast %parallel_loop3A_111 : i32 to index
        %parallel_loop3A_113 = tpu.vector_load %arg5[%parallel_loop3A_112] {strides = array<i32>} : memref<8320xf32, #tpu.memory_space<vmem>>, vector<16xf32>,
        %parallel_loop3A_114 = arith.constant 16 : i32
        %parallel_loop3A_115 = arith.addi %parallel_loop3A_101, %parallel_loop3A_114 : i32
        %parallel_loop3A_116 = arith.index_cast %parallel_loop3A_115 : i32 to index
        %parallel_loop3A_117 = tpu.vector_load %arg8[%parallel_loop3A_116] {strides = array<i32>} : memref<32768xf32, #tpu.memory_space<vmem>>, vector<16xf32>,
        tpu.vector_store %arg8[%parallel_loop3A_116], %parallel_loop3A_113 {strides = array<i32>} : memref<32768xf32, #tpu.memory_space<vmem>>, vector<16xf32>,
        %parallel_loop3A_118 = arith.constant 32 : i32
        %parallel_loop3A_119 = arith.addi %parallel_loop3A_99, %parallel_loop3A_118 : i32
        %parallel_loop3A_120 = arith.index_cast %parallel_loop3A_119 : i32 to index
        %parallel_loop3A_121 = tpu.vector_load %arg5[%parallel_loop3A_120] {strides = array<i32>} : memref<8320xf32, #tpu.memory_space<vmem>>, vector<16xf32>,
        %parallel_loop3A_122 = arith.constant 32 : i32
        %parallel_loop3A_123 = arith.addi %parallel_loop3A_101, %parallel_loop3A_122 : i32
        %parallel_loop3A_124 = arith.index_cast %parallel_loop3A_123 : i32 to index
        %parallel_loop3A_125 = tpu.vector_load %arg8[%parallel_loop3A_124] {strides = array<i32>} : memref<32768xf32, #tpu.memory_space<vmem>>, vector<16xf32>,
        tpu.vector_store %arg8[%parallel_loop3A_124], %parallel_loop3A_121 {strides = array<i32>} : memref<32768xf32, #tpu.memory_space<vmem>>, vector<16xf32>,
        %parallel_loop3A_126 = arith.constant 48 : i32
        %parallel_loop3A_127 = arith.addi %parallel_loop3A_99, %parallel_loop3A_126 : i32
        %parallel_loop3A_128 = arith.index_cast %parallel_loop3A_127 : i32 to index
        %parallel_loop3A_129 = tpu.vector_load %arg5[%parallel_loop3A_128] {strides = array<i32>} : memref<8320xf32, #tpu.memory_space<vmem>>, vector<16xf32>,
        %parallel_loop3A_130 = arith.constant 48 : i32
        %parallel_loop3A_131 = arith.addi %parallel_loop3A_101, %parallel_loop3A_130 : i32
        %parallel_loop3A_132 = arith.index_cast %parallel_loop3A_131 : i32 to index
        %parallel_loop3A_133 = tpu.vector_load %arg8[%parallel_loop3A_132] {strides = array<i32>} : memref<32768xf32, #tpu.memory_space<vmem>>, vector<16xf32>,
        tpu.vector_store %arg8[%parallel_loop3A_132], %parallel_loop3A_129 {strides = array<i32>} : memref<32768xf32, #tpu.memory_space<vmem>>, vector<16xf32>,
        %parallel_loop3A_134 = arith.constant 64 : i32
        %parallel_loop3A_135 = arith.addi %parallel_loop3A_99, %parallel_loop3A_134 : i32
        %parallel_loop3A_136 = arith.index_cast %parallel_loop3A_135 : i32 to index
        %parallel_loop3A_137 = tpu.vector_load %arg5[%parallel_loop3A_136] {strides = array<i32>} : memref<8320xf32, #tpu.memory_space<vmem>>, vector<16xf32>,
        %parallel_loop3A_138 = arith.constant 64 : i32
        %parallel_loop3A_139 = arith.addi %parallel_loop3A_101, %parallel_loop3A_138 : i32
        %parallel_loop3A_140 = arith.index_cast %parallel_loop3A_139 : i32 to index
        %parallel_loop3A_141 = tpu.vector_load %arg8[%parallel_loop3A_140] {strides = array<i32>} : memref<32768xf32, #tpu.memory_space<vmem>>, vector<16xf32>,
        tpu.vector_store %arg8[%parallel_loop3A_140], %parallel_loop3A_137 {strides = array<i32>} : memref<32768xf32, #tpu.memory_space<vmem>>, vector<16xf32>,
        %parallel_loop3A_142 = arith.constant 80 : i32
        %parallel_loop3A_143 = arith.addi %parallel_loop3A_99, %parallel_loop3A_142 : i32
        %parallel_loop3A_144 = arith.index_cast %parallel_loop3A_143 : i32 to index
        %parallel_loop3A_145 = tpu.vector_load %arg5[%parallel_loop3A_144] {strides = array<i32>} : memref<8320xf32, #tpu.memory_space<vmem>>, vector<16xf32>,
        %parallel_loop3A_146 = arith.constant 80 : i32
        %parallel_loop3A_147 = arith.addi %parallel_loop3A_101, %parallel_loop3A_146 : i32
        %parallel_loop3A_148 = arith.index_cast %parallel_loop3A_147 : i32 to index
        %parallel_loop3A_149 = tpu.vector_load %arg8[%parallel_loop3A_148] {strides = array<i32>} : memref<32768xf32, #tpu.memory_space<vmem>>, vector<16xf32>,
        tpu.vector_store %arg8[%parallel_loop3A_148], %parallel_loop3A_145 {strides = array<i32>} : memref<32768xf32, #tpu.memory_space<vmem>>, vector<16xf32>,
        %parallel_loop3A_150 = arith.constant 96 : i32
        %parallel_loop3A_151 = arith.addi %parallel_loop3A_99, %parallel_loop3A_150 : i32
        %parallel_loop3A_152 = arith.index_cast %parallel_loop3A_151 : i32 to index
        %parallel_loop3A_153 = tpu.vector_load %arg5[%parallel_loop3A_152] {strides = array<i32>} : memref<8320xf32, #tpu.memory_space<vmem>>, vector<16xf32>,
        %parallel_loop3A_154 = arith.constant 96 : i32
        %parallel_loop3A_155 = arith.addi %parallel_loop3A_101, %parallel_loop3A_154 : i32
        %parallel_loop3A_156 = arith.index_cast %parallel_loop3A_155 : i32 to index
        %parallel_loop3A_157 = tpu.vector_load %arg8[%parallel_loop3A_156] {strides = array<i32>} : memref<32768xf32, #tpu.memory_space<vmem>>, vector<16xf32>,
        tpu.vector_store %arg8[%parallel_loop3A_156], %parallel_loop3A_153 {strides = array<i32>} : memref<32768xf32, #tpu.memory_space<vmem>>, vector<16xf32>,
        %parallel_loop3A_158 = arith.constant 112 : i32
        %parallel_loop3A_159 = arith.addi %parallel_loop3A_99, %parallel_loop3A_158 : i32
        %parallel_loop3A_160 = arith.index_cast %parallel_loop3A_159 : i32 to index
        %parallel_loop3A_161 = tpu.vector_load %arg5[%parallel_loop3A_160] {strides = array<i32>} : memref<8320xf32, #tpu.memory_space<vmem>>, vector<16xf32>,
        %parallel_loop3A_162 = arith.constant 112 : i32
        %parallel_loop3A_163 = arith.addi %parallel_loop3A_101, %parallel_loop3A_162 : i32
        %parallel_loop3A_164 = arith.index_cast %parallel_loop3A_163 : i32 to index
        %parallel_loop3A_165 = tpu.vector_load %arg8[%parallel_loop3A_164] {strides = array<i32>} : memref<32768xf32, #tpu.memory_space<vmem>>, vector<16xf32>,
        tpu.vector_store %arg8[%parallel_loop3A_164], %parallel_loop3A_161 {strides = array<i32>} : memref<32768xf32, #tpu.memory_space<vmem>>, vector<16xf32>,
      } {sc.loop_unroll_factor = 4 : i64, sc.parallel_access}
      %mul3A_55 = arith.constant 128 : i32
      %mul3A_56 = arith.muli %add3A_44, %mul3A_55 : i32
      %dma_start3A = tpu.memref_slice %arg4[%mul3A_56] : memref<134217728xf32, #tpu.memory_space<hbm>> -> memref<32768xf32, #tpu.memory_space<hbm>>
      %dma_start3A_57 = tpu.memref_slice %arg4[%mul3A_56] : memref<134217728xf32, #tpu.memory_space<hbm>> -> memref<32768xf32, #tpu.memory_space<hbm>>
      tpu.enqueue_dma source(%arg8 : memref<32768xf32, #tpu.memory_space<vmem>>) target(%dma_start3A_57 : memref<32768xf32, #tpu.memory_space<hbm>>) target_semaphore(%arg10 : memref<!tpu.dma_semaphore, #tpu.memory_space<semaphore_mem>>)
      %mul3A_58 = arith.constant 2 : i32
      %mul3A_59 = arith.muli %scan3A_35, %mul3A_58 : i32
      %add3A_60 = arith.constant 1 : i32
      %add3A_61 = arith.addi %mul3A_59, %add3A_60 : i32
      %mul3A_62 = arith.constant 32768 : i32
      %mul3A_63 = arith.muli %add3A, %mul3A_62 : i32
      %mul3A_64 = arith.constant 256 : i32
      %mul3A_65 = arith.muli %add3A_61, %mul3A_64 : i32
      %add3A_66 = arith.addi %mul3A_63, %mul3A_65 : i32
      %shift_right_logical3A_67 = arith.constant 9 : i32
      %shift_right_logical3A_68 = arith.shrui %add3A_66, %shift_right_logical3A_67 : i32
      %and3A_69 = arith.constant 511 : i32
      %and3A_70 = arith.andi %shift_right_logical3A_68, %and3A_69 : i32
      %and3A_71 = arith.constant 511 : i32
      %and3A_72 = arith.andi %add3A_66, %and3A_71 : i32
      %get3A_73 = arith.index_cast %and3A_70 : i32 to index
      %get3A_74 = memref.load %arg7[%get3A_73] : memref<512xi32, #tpu.memory_space<smem>>
      %gt3A_75 = arith.constant 0 : i32
      %gt3A_76 = arith.cmpi sgt, %scan3A_35, %gt3A_75 : i32
      %convert_element_type3A_77 = arith.extui %gt3A_76 : i1 to i32
      %cond3A_78 = arith.constant 0 : i32
      %cond3A_79 = arith.cmpi ne, %convert_element_type3A_77, %cond3A_78 : i32
      scf.if %cond3A_79 {
        %dma_wait3A_87 = arith.constant 0 : i32
        %dma_wait3A_88 = tpu.memref_slice %arg4[%dma_wait3A_87] : memref<134217728xf32, #tpu.memory_space<hbm>> -> memref<32768xf32, #tpu.memory_space<hbm>>
        %dma_wait3A_89 = arith.constant 0 : i32
        %dma_wait3A_90 = tpu.memref_slice %arg4[%dma_wait3A_89] : memref<134217728xf32, #tpu.memory_space<hbm>> -> memref<32768xf32, #tpu.memory_space<hbm>>
        tpu.wait_dma2 semaphore(%arg11 : memref<!tpu.dma_semaphore, #tpu.memory_space<semaphore_mem>>) src(%arg9 : memref<32768xf32, #tpu.memory_space<vmem>>) dst(%dma_wait3A_90 : memref<32768xf32, #tpu.memory_space<hbm>>)
      } else {
      }
      %parallel_loop3A_80 = arith.constant 0 : i32
      %parallel_loop3A_81 = arith.constant 256 : i32
      %parallel_loop3A_82 = arith.constant 1 : i32
      scf.for %parallel_loop3A_87 = %parallel_loop3A_80 to %parallel_loop3A_81 step %parallel_loop3A_82  : i32 {
        %parallel_loop3A_88 = arith.addi %and3A_72, %parallel_loop3A_87 : i32
        %parallel_loop3A_89 = arith.index_cast %parallel_loop3A_88 : i32 to index
        %parallel_loop3A_90 = memref.load %arg7[%parallel_loop3A_89] : memref<512xi32, #tpu.memory_space<smem>>
        %parallel_loop3A_91 = arith.subi %get3A_74, %parallel_loop3A_90 : i32
        %parallel_loop3A_92 = arith.constant -32 : i32
        %parallel_loop3A_93 = arith.maxsi %parallel_loop3A_91, %parallel_loop3A_92 : i32
        %parallel_loop3A_94 = arith.constant 32 : i32
        %parallel_loop3A_95 = arith.minsi %parallel_loop3A_93, %parallel_loop3A_94 : i32
        %parallel_loop3A_96 = arith.constant 32 : i32
        %parallel_loop3A_97 = arith.addi %parallel_loop3A_95, %parallel_loop3A_96 : i32
        %parallel_loop3A_98 = arith.constant 7 : i32
        %parallel_loop3A_99 = arith.shli %parallel_loop3A_97, %parallel_loop3A_98 : i32
        %parallel_loop3A_100 = arith.constant 7 : i32
        %parallel_loop3A_101 = arith.shli %parallel_loop3A_87, %parallel_loop3A_100 : i32
        %parallel_loop3A_102 = arith.constant 0 : i32
        %parallel_loop3A_103 = arith.addi %parallel_loop3A_99, %parallel_loop3A_102 : i32
        %parallel_loop3A_104 = arith.index_cast %parallel_loop3A_103 : i32 to index
        %parallel_loop3A_105 = tpu.vector_load %arg5[%parallel_loop3A_104] {strides = array<i32>} : memref<8320xf32, #tpu.memory_space<vmem>>, vector<16xf32>,
        %parallel_loop3A_106 = arith.constant 0 : i32
        %parallel_loop3A_107 = arith.addi %parallel_loop3A_101, %parallel_loop3A_106 : i32
        %parallel_loop3A_108 = arith.index_cast %parallel_loop3A_107 : i32 to index
        %parallel_loop3A_109 = tpu.vector_load %arg9[%parallel_loop3A_108] {strides = array<i32>} : memref<32768xf32, #tpu.memory_space<vmem>>, vector<16xf32>,
        tpu.vector_store %arg9[%parallel_loop3A_108], %parallel_loop3A_105 {strides = array<i32>} : memref<32768xf32, #tpu.memory_space<vmem>>, vector<16xf32>,
        %parallel_loop3A_110 = arith.constant 16 : i32
        %parallel_loop3A_111 = arith.addi %parallel_loop3A_99, %parallel_loop3A_110 : i32
        %parallel_loop3A_112 = arith.index_cast %parallel_loop3A_111 : i32 to index
        %parallel_loop3A_113 = tpu.vector_load %arg5[%parallel_loop3A_112] {strides = array<i32>} : memref<8320xf32, #tpu.memory_space<vmem>>, vector<16xf32>,
        %parallel_loop3A_114 = arith.constant 16 : i32
        %parallel_loop3A_115 = arith.addi %parallel_loop3A_101, %parallel_loop3A_114 : i32
        %parallel_loop3A_116 = arith.index_cast %parallel_loop3A_115 : i32 to index
        %parallel_loop3A_117 = tpu.vector_load %arg9[%parallel_loop3A_116] {strides = array<i32>} : memref<32768xf32, #tpu.memory_space<vmem>>, vector<16xf32>,
        tpu.vector_store %arg9[%parallel_loop3A_116], %parallel_loop3A_113 {strides = array<i32>} : memref<32768xf32, #tpu.memory_space<vmem>>, vector<16xf32>,
        %parallel_loop3A_118 = arith.constant 32 : i32
        %parallel_loop3A_119 = arith.addi %parallel_loop3A_99, %parallel_loop3A_118 : i32
        %parallel_loop3A_120 = arith.index_cast %parallel_loop3A_119 : i32 to index
        %parallel_loop3A_121 = tpu.vector_load %arg5[%parallel_loop3A_120] {strides = array<i32>} : memref<8320xf32, #tpu.memory_space<vmem>>, vector<16xf32>,
        %parallel_loop3A_122 = arith.constant 32 : i32
        %parallel_loop3A_123 = arith.addi %parallel_loop3A_101, %parallel_loop3A_122 : i32
        %parallel_loop3A_124 = arith.index_cast %parallel_loop3A_123 : i32 to index
        %parallel_loop3A_125 = tpu.vector_load %arg9[%parallel_loop3A_124] {strides = array<i32>} : memref<32768xf32, #tpu.memory_space<vmem>>, vector<16xf32>,
        tpu.vector_store %arg9[%parallel_loop3A_124], %parallel_loop3A_121 {strides = array<i32>} : memref<32768xf32, #tpu.memory_space<vmem>>, vector<16xf32>,
        %parallel_loop3A_126 = arith.constant 48 : i32
        %parallel_loop3A_127 = arith.addi %parallel_loop3A_99, %parallel_loop3A_126 : i32
        %parallel_loop3A_128 = arith.index_cast %parallel_loop3A_127 : i32 to index
        %parallel_loop3A_129 = tpu.vector_load %arg5[%parallel_loop3A_128] {strides = array<i32>} : memref<8320xf32, #tpu.memory_space<vmem>>, vector<16xf32>,
        %parallel_loop3A_130 = arith.constant 48 : i32
        %parallel_loop3A_131 = arith.addi %parallel_loop3A_101, %parallel_loop3A_130 : i32
        %parallel_loop3A_132 = arith.index_cast %parallel_loop3A_131 : i32 to index
        %parallel_loop3A_133 = tpu.vector_load %arg9[%parallel_loop3A_132] {strides = array<i32>} : memref<32768xf32, #tpu.memory_space<vmem>>, vector<16xf32>,
        tpu.vector_store %arg9[%parallel_loop3A_132], %parallel_loop3A_129 {strides = array<i32>} : memref<32768xf32, #tpu.memory_space<vmem>>, vector<16xf32>,
        %parallel_loop3A_134 = arith.constant 64 : i32
        %parallel_loop3A_135 = arith.addi %parallel_loop3A_99, %parallel_loop3A_134 : i32
        %parallel_loop3A_136 = arith.index_cast %parallel_loop3A_135 : i32 to index
        %parallel_loop3A_137 = tpu.vector_load %arg5[%parallel_loop3A_136] {strides = array<i32>} : memref<8320xf32, #tpu.memory_space<vmem>>, vector<16xf32>,
        %parallel_loop3A_138 = arith.constant 64 : i32
        %parallel_loop3A_139 = arith.addi %parallel_loop3A_101, %parallel_loop3A_138 : i32
        %parallel_loop3A_140 = arith.index_cast %parallel_loop3A_139 : i32 to index
        %parallel_loop3A_141 = tpu.vector_load %arg9[%parallel_loop3A_140] {strides = array<i32>} : memref<32768xf32, #tpu.memory_space<vmem>>, vector<16xf32>,
        tpu.vector_store %arg9[%parallel_loop3A_140], %parallel_loop3A_137 {strides = array<i32>} : memref<32768xf32, #tpu.memory_space<vmem>>, vector<16xf32>,
        %parallel_loop3A_142 = arith.constant 80 : i32
        %parallel_loop3A_143 = arith.addi %parallel_loop3A_99, %parallel_loop3A_142 : i32
        %parallel_loop3A_144 = arith.index_cast %parallel_loop3A_143 : i32 to index
        %parallel_loop3A_145 = tpu.vector_load %arg5[%parallel_loop3A_144] {strides = array<i32>} : memref<8320xf32, #tpu.memory_space<vmem>>, vector<16xf32>,
        %parallel_loop3A_146 = arith.constant 80 : i32
        %parallel_loop3A_147 = arith.addi %parallel_loop3A_101, %parallel_loop3A_146 : i32
        %parallel_loop3A_148 = arith.index_cast %parallel_loop3A_147 : i32 to index
        %parallel_loop3A_149 = tpu.vector_load %arg9[%parallel_loop3A_148] {strides = array<i32>} : memref<32768xf32, #tpu.memory_space<vmem>>, vector<16xf32>,
        tpu.vector_store %arg9[%parallel_loop3A_148], %parallel_loop3A_145 {strides = array<i32>} : memref<32768xf32, #tpu.memory_space<vmem>>, vector<16xf32>,
        %parallel_loop3A_150 = arith.constant 96 : i32
        %parallel_loop3A_151 = arith.addi %parallel_loop3A_99, %parallel_loop3A_150 : i32
        %parallel_loop3A_152 = arith.index_cast %parallel_loop3A_151 : i32 to index
        %parallel_loop3A_153 = tpu.vector_load %arg5[%parallel_loop3A_152] {strides = array<i32>} : memref<8320xf32, #tpu.memory_space<vmem>>, vector<16xf32>,
        %parallel_loop3A_154 = arith.constant 96 : i32
        %parallel_loop3A_155 = arith.addi %parallel_loop3A_101, %parallel_loop3A_154 : i32
        %parallel_loop3A_156 = arith.index_cast %parallel_loop3A_155 : i32 to index
        %parallel_loop3A_157 = tpu.vector_load %arg9[%parallel_loop3A_156] {strides = array<i32>} : memref<32768xf32, #tpu.memory_space<vmem>>, vector<16xf32>,
        tpu.vector_store %arg9[%parallel_loop3A_156], %parallel_loop3A_153 {strides = array<i32>} : memref<32768xf32, #tpu.memory_space<vmem>>, vector<16xf32>,
        %parallel_loop3A_158 = arith.constant 112 : i32
        %parallel_loop3A_159 = arith.addi %parallel_loop3A_99, %parallel_loop3A_158 : i32
        %parallel_loop3A_160 = arith.index_cast %parallel_loop3A_159 : i32 to index
        %parallel_loop3A_161 = tpu.vector_load %arg5[%parallel_loop3A_160] {strides = array<i32>} : memref<8320xf32, #tpu.memory_space<vmem>>, vector<16xf32>,
        %parallel_loop3A_162 = arith.constant 112 : i32
        %parallel_loop3A_163 = arith.addi %parallel_loop3A_101, %parallel_loop3A_162 : i32
        %parallel_loop3A_164 = arith.index_cast %parallel_loop3A_163 : i32 to index
        %parallel_loop3A_165 = tpu.vector_load %arg9[%parallel_loop3A_164] {strides = array<i32>} : memref<32768xf32, #tpu.memory_space<vmem>>, vector<16xf32>,
        tpu.vector_store %arg9[%parallel_loop3A_164], %parallel_loop3A_161 {strides = array<i32>} : memref<32768xf32, #tpu.memory_space<vmem>>, vector<16xf32>,
      } {sc.loop_unroll_factor = 4 : i64, sc.parallel_access}
      %mul3A_83 = arith.constant 128 : i32
      %mul3A_84 = arith.muli %add3A_66, %mul3A_83 : i32
      %dma_start3A_85 = tpu.memref_slice %arg4[%mul3A_84] : memref<134217728xf32, #tpu.memory_space<hbm>> -> memref<32768xf32, #tpu.memory_space<hbm>>
      %dma_start3A_86 = tpu.memref_slice %arg4[%mul3A_84] : memref<134217728xf32, #tpu.memory_space<hbm>> -> memref<32768xf32, #tpu.memory_space<hbm>>
      tpu.enqueue_dma source(%arg9 : memref<32768xf32, #tpu.memory_space<vmem>>) target(%dma_start3A_86 : memref<32768xf32, #tpu.memory_space<hbm>>) target_semaphore(%arg11 : memref<!tpu.dma_semaphore, #tpu.memory_space<semaphore_mem>>)
    }
    %scan3A_27 = arith.constant 64 : i32
    %dma_wait3A = arith.constant 0 : i32
    %dma_wait3A_28 = tpu.memref_slice %arg4[%dma_wait3A] : memref<134217728xf32, #tpu.memory_space<hbm>> -> memref<32768xf32, #tpu.memory_space<hbm>>
    %dma_wait3A_29 = arith.constant 0 : i32
    %dma_wait3A_30 = tpu.memref_slice %arg4[%dma_wait3A_29] : memref<134217728xf32, #tpu.memory_space<hbm>> -> memref<32768xf32, #tpu.memory_space<hbm>>
    tpu.wait_dma2 semaphore(%arg10 : memref<!tpu.dma_semaphore, #tpu.memory_space<semaphore_mem>>) src(%arg8 : memref<32768xf32, #tpu.memory_space<vmem>>) dst(%dma_wait3A_30 : memref<32768xf32, #tpu.memory_space<hbm>>)
    %dma_wait3A_31 = arith.constant 0 : i32
    %dma_wait3A_32 = tpu.memref_slice %arg4[%dma_wait3A_31] : memref<134217728xf32, #tpu.memory_space<hbm>> -> memref<32768xf32, #tpu.memory_space<hbm>>
    %dma_wait3A_33 = arith.constant 0 : i32
    %dma_wait3A_34 = tpu.memref_slice %arg4[%dma_wait3A_33] : memref<134217728xf32, #tpu.memory_space<hbm>> -> memref<32768xf32, #tpu.memory_space<hbm>>
    tpu.wait_dma2 semaphore(%arg11 : memref<!tpu.dma_semaphore, #tpu.memory_space<semaphore_mem>>) src(%arg9 : memref<32768xf32, #tpu.memory_space<vmem>>) dst(%dma_wait3A_34 : memref<32768xf32, #tpu.memory_space<hbm>>)
    return
  }
}

</mosaic_0001>

<sc_bundles>
// kernel: kernel.3.cloned.1.call-start
scs
__scs_entry_jumppad:
0x0: {  	(pc) =	sbr.rel $0x88, $3  }
0x1: {  	(tag) =	ssettag $0x0;
	lr =	simm.s32 $0x1  }
0x2: {  	[smem:$0x3F9E] =	sst lr;
	_ =	strace $0xD0000000  }
0x3: {  	_ = 	snop  }
0x4: {  	_ = 	snop  }
0x5: {  	_ = 	snop  }
0x6: {  	_ = 	snop  }
0x7: {  	_ = 	snop  }
__scs_overlays_trampoline_lowered:
0x8: {  	[smem:$0x3FAD] =	sst s0  }
0x9: {  	[smem:$0x3FAE] =	sst s1  }
0xa: {  	[smem:$0x3FAF] =	sst s2  }
0xb: {  	[smem:$0x3FB0] =	sst s3  }
0xc: {  	[smem:$0x3FB1] =	sst s4  }
0xd: {  	[smem:$0x3FB2] =	sst s5  }
0xe: {  	[smem:$0x3FB3] =	sst s6  }
0xf: {  	[smem:$0x3FB4] =	sst s7  }
0x10: {  	[smem:$0x3FB5] =	sst s8  }
0x11: {  	[smem:$0x3FB6] =	sst s9;
	s0 =	simm.s32 @!p0 $0x0  }
0x12: {  	s1 =	sld [smem:$0x3F9C];
	s0 =	simm.s32 @p0 $0x1  }
0x13: {  	[smem:$0x3FB7] =	sst s0;
	s0 =	simm.s32 @!p1 $0x0  }
0x14: {  	s2 =	sld [smem:$0x3F9B];
	s0 =	simm.s32 @p1 $0x1  }
0x15: {  	[smem:$0x3FB8] =	sst s0;
	s0 =	simm.s32 @!p2 $0x0  }
0x16: {  	s3 =	sld [smem:$0x3FDB];
	s0 =	simm.s32 @p2 $0x1  }
0x17: {  	s4 =	simm.s32 $0x1BF5;
	[smem:$0x3FBA] =	sst s0  }
0x18: {  	s0 =	sld [smem:$0x3F9D];
	_ =	swait.ge [sflag:s4], $0x0  }
0x19: {  	s7 =	sld [smem:$0x3F9E]  }
0x1a: {  	s8 =	sadd.s32 $0xFFFFE003, lr  }
0x1b: {  	s9 =	sadd.s32 $0xFFFFFEF7, lr;
	s5 =	simm.s32 $0xFFFFFFFF;
	p2 =	slt.u32 s8, $0xFFFFF086  }
0x1c: {  	p1 =	slt.u32 s9, $0xF7A;
	s5 =	simm.s32 @!p2 $0x0  }
0x1d: {  	s5 =	simm.s32 @p1 $0x1;
	p0 =	seq.s32 s7, s2  }
0x1e: {  	s7 =	smul.u32 @!p0 $0xF7A, s2;
	p2 =	seq.s32 @!p0 s5, $0x0  }
0x1f: {  	s9 =	smul.u32 $0xF7A, s1;
	s8 =	simm.s32 @!p0 $0x1BF5;
	p2 =	por !p2, p0  }
0x20: {  	[sflag:s8] =	ssyncset.s32 @!p0 $0xFFFFF086;
	s6 =	sadd.s32 @!p0 s3, s7;
	s7 =	simm.s32 @!p0 $0x108  }
0x21: {  	s3 =	sadd.s32 s3, s9;
	s6 =	sadd.s32 @!p0 $0x88, s6;
	s7 =	simm.s32 @p2 $0x1082  }
0x22: {  	[simem:s7], [sflag:s8] =	dma.local @!p0 [hbm:s6], $0xF7A  }
0x23: {  	s9 =	sor.u32 $0xD0000000, s2;
	s6 =	simm.s32 $0x108;
	_ =	swait.ge @!p0 [sflag:s8], $0x0  }
0x24: {  	s3 =	sadd.s32 $0x88, s3;
	s6 =	simm.s32 @!p1 $0x1082;
	[sflag:s4] =	ssyncset.s32 $0xFFFFF086  }
0x25: {  	[simem:s6], [sflag:s4] =	dma.local [hbm:s3], $0xF7A  }
0x26: {  	[smem:$0x3F9E] =	sst s1;
	(tag) =	ssettag s2;
	_ =	strace s9  }
0x27: {  	s1 =	sld [smem:$0x3FAE]  }
0x28: {  	s2 =	sld [smem:$0x3FAF]  }
0x29: {  	s4 =	sld [smem:$0x3FB1]  }
0x2a: {  	p0 =	seq.s32 s5, $0x0;
	s5 =	sld [smem:$0x3FB2]  }
0x2b: {  	s6 =	sld [smem:$0x3FB3]  }
0x2c: {  	s7 =	sld [smem:$0x3FB4]  }
0x2d: {  	s3 =	simm.s32 $0x108;
	s8 =	sld [smem:$0x3FB5]  }
0x2e: {  	s3 =	simm.s32 @!p0 $0x1082;
	s9 =	sld [smem:$0x3FB6]  }
0x2f: {  	lr =	sadd.s32 s0, s3;
	s0 =	sld [smem:$0x3FAD]  }
0x30: {  	s3 =	sld [smem:$0x3FB0]  }
0x31: {  	[smem:$0x3FB9] =	sst s10  }
0x32: {  	s10 =	sld [smem:$0x3FB7];
	_ =	sdelay $0x3  }
0x33: {  	p0 =	seq.s32 s10, $0x1;
	s10 =	sld [smem:$0x3FB9];
	_ =	sdelay $0x3  }
0x34: {  	[smem:$0x3FB9] =	sst s10  }
0x35: {  	s10 =	sld [smem:$0x3FB8];
	_ =	sdelay $0x3  }
0x36: {  	p1 =	seq.s32 s10, $0x1;
	s10 =	sld [smem:$0x3FB9];
	_ =	sdelay $0x3  }
0x37: {  	[smem:$0x3FB9] =	sst s10  }
0x38: {  	s10 =	sld [smem:$0x3FBA]  }
0x39: {  	_ = 	snop;
	(pc) =	sbr.ind lr, $3  }
0x3a: {  	_ = 	snop  }
0x3b: {  	_ = 	snop  }
0x3c: {  	p2 =	seq.s32 s10, $0x1;
	s10 =	sld [smem:$0x3FB9]  }
0x3d: {  	_ =	shalt  }
0x3e: {  	_ =	shalt  }
0x3f: {  	_ =	shalt  }
0x40: {  	_ =	shalt  }
0x41: {  	_ =	shalt  }
0x42: {  	_ =	shalt  }
0x43: {  	_ =	shalt  }
0x44: {  	_ =	shalt  }
0x45: {  	_ =	shalt  }
0x46: {  	_ =	shalt  }
0x47: {  	_ =	shalt  }
0x48: {  	_ =	shalt  }
0x49: {  	_ =	shalt  }
0x4a: {  	_ =	shalt  }
0x4b: {  	_ =	shalt  }
0x4c: {  	_ =	shalt  }
0x4d: {  	_ =	shalt  }
0x4e: {  	_ =	shalt  }
0x4f: {  	_ =	shalt  }
0x50: {  	_ =	shalt  }
0x51: {  	_ =	shalt  }
0x52: {  	_ =	shalt  }
0x53: {  	_ =	shalt  }
0x54: {  	_ =	shalt  }
0x55: {  	_ =	shalt  }
0x56: {  	_ =	shalt  }
0x57: {  	_ =	shalt  }
0x58: {  	_ =	shalt  }
0x59: {  	_ =	shalt  }
0x5a: {  	_ =	shalt  }
0x5b: {  	_ =	shalt  }
0x5c: {  	_ =	shalt  }
0x5d: {  	_ =	shalt  }
0x5e: {  	_ =	shalt  }
0x5f: {  	_ =	shalt  }
0x60: {  	_ =	shalt  }
0x61: {  	_ =	shalt  }
0x62: {  	_ =	shalt  }
0x63: {  	_ =	shalt  }
0x64: {  	_ =	shalt  }
0x65: {  	_ =	shalt  }
0x66: {  	_ =	shalt  }
0x67: {  	_ =	shalt  }
0x68: {  	_ =	shalt  }
0x69: {  	_ =	shalt  }
0x6a: {  	_ =	shalt  }
0x6b: {  	_ =	shalt  }
0x6c: {  	_ =	shalt  }
0x6d: {  	_ =	shalt  }
0x6e: {  	_ =	shalt  }
0x6f: {  	_ =	shalt  }
0x70: {  	_ =	shalt  }
0x71: {  	_ =	shalt  }
0x72: {  	_ =	shalt  }
0x73: {  	_ =	shalt  }
0x74: {  	_ =	shalt  }
0x75: {  	_ =	shalt  }
0x76: {  	_ =	shalt  }
0x77: {  	_ =	shalt  }
0x78: {  	_ =	shalt  }
0x79: {  	_ =	shalt  }
0x7a: {  	_ =	shalt  }
0x7b: {  	_ =	shalt  }
0x7c: {  	_ =	shalt  }
0x7d: {  	_ =	shalt  }
0x7e: {  	_ =	shalt  }
0x7f: {  	_ =	shalt  }
0x80: {  	_ =	shalt  }
0x81: {  	_ =	shalt  }
0x82: {  	_ =	shalt  }
0x83: {  	_ =	shalt  }
0x84: {  	_ =	shalt  }
0x85: {  	_ =	shalt  }
0x86: {  	_ =	shalt  }
0x87: {  	_ =	shalt  }
.Lfunc_end0:
.L_simem_size_0:
called_computation_lowered:
.L_overlay_start_0:
0x88: {  	s2 =	sld [smem:$0x3FD9]  }
0x89: {  	s3 =	sld [smem:$0x3FFE];
	_ =	sdelay $0x1  }
0x8a: {  	s1 =	srdreg.scid  }
0x8b: {  	s0 =	sand.u32 $0x1, s1  }
0x8c: {  	s17 =	sshll.u32 s0, $0xA;
	s2 =	sadd.s32 s3, s2  }
0x8d: {  	s2 =	sadd.s32 s2, s17  }
0x8e: {  	[smem:$0x3FC5] =	sst s2  }
0x8f: {  	_ = 	snop  }
0x90: {  	s2 =	sld [smem:$0x3FD0];
	(tm) =	ssettm $0x1  }
0x91: {  	s18 =	sld [smem:$0x3FFB];
	_ =	sdelay $0x3  }
0x92: {  	_ =	strace s18  }
0x93: {  	s3 =	sld [smem:$0x3FFC];
	_ =	sdelay $0x3  }
0x94: {  	_ =	strace s3  }
0x95: {  	s3 =	sld [smem:$0x3FFD];
	_ =	sdelay $0x3  }
0x96: {  	_ =	strace s3  }
0x97: {  	_ =	strace $0x8FFFFFFF  }
0x98: {  	s19 =	sld [smem:$0x3FDB];
	_ =	sdelay $0x1  }
0x99: {  	s4 =	simm.s32 $_scs_section_size  }
0x9a: {  	s5 =	simm.s32 $_size__tile_overlayer_lowered;
	s6 =	simm.s32 $_tile_overlayer_lowered  }
0x9b: {  	s22 =	simm.s32 $0x1BFF;
	s21 =	sshll.u32 s6, $0x1;
	s3 =	sadd.s32 s4, s19  }
0x9c: {  	s7 =	simm.s32 $0x0;
	s20 =	sshll.u32 s5, $0x1;
	s5 =	sadd.s32 s21, s3  }
0x9d: {  	[timem:s7], [sflag:s22] =	dma.local [hbm:s5], s20  }
0x9e: {  	_ =	swait.ge [sflag:s22], s20  }
0x9f: {  	s4 =	ssub.s32 $0x0, s20;
	[sflag:s22] =	ssyncset.done $0x0  }
0xa0: {  	[sflag:s22] =	ssyncadd.s32 s4;
	_ =	sdelay $0x1  }
0xa1: {  	s23 =	simm.s32 $0x1B8B  }
0xa2: {  	_ =	swait.ge [sflag:s23], $0x1  }
0xa3: {  	[sflag:s23] =	ssyncset.done $0x0  }
0xa4: {  	s25 =	simm.s32 $0x1B8E;
	s24 =	sld [smem:$0x3FFE];
	[sflag:s23] =	ssyncadd.s32 $0xFFFFFFFF  }
0xa5: {  	s26 =	simm.s32 $execute0_lowered;
	[smem:$0x3FD2] =	sst s25  }
0xa6: {  	s5 =	sshll.u32 s26, $0x1;
	_ =	strace $0x80000046;
	[dreg:$0x1] =	wrdreg $0xFFFFFFFF  }
0xa7: {  	s28 =	simm.s32 $_size_execute0_lowered;
	s3 =	sadd.s32 s3, s5;
	[dreg:$0x0] =	wrdreg $0x0  }
0xa8: {  	s5 =	sshll.u32 s28, $0x1;
	[dreg:$0x2] =	wrdreg s3  }
0xa9: {  	[dreg:$0x3] =	wrdreg s5  }
0xaa: {  	[dreg:$0x4] =	wrdreg $0xC0  }
0xab: {  	_ =	task [dreg:s7], $0x5FFFF  }
0xac: {  	[dreg:$0x1] =	wrdreg $0xFFFFFFFF  }
0xad: {  	[dreg:$0x0] =	wrdreg $0x60  }
0xae: {  	[dreg:$0x2] =	wrdreg s24  }
0xaf: {  	[dreg:$0x3] =	wrdreg s2  }
0xb0: {  	[dreg:$0x4] =	wrdreg $0x9  }
0xb1: {  	_ =	task.clear_ibuf [dreg:s7], $0x5FFFF;
	_ =	strace $0x90000046  }
0xb2: {  	s29 =	simm.s32 $0x9;
	_ =	strace $0x80000048  }
0xb3: {  	_ =	swait.ge [sflag:s29], $0x1  }
0xb4: {  	[sflag:s29] =	ssyncadd.s32 $0xFFFFFFFF  }
0xb5: {  	_ =	strace $0x90000048  }
0xb6: {  	_ =	sfence  }
0xb7: {  	s30 =	sld [smem:$0x0];
	_ =	sdelay $0x2  }
0xb8: {  	s31 =	sshll.u32 s1, $0xD;
	s1 =	sshrl.u32 s1, $0x2  }
0xb9: {  	s3 =	sand.u32 $0x4000, s31;
	s1 =	sadd.s32 s1, s30  }
0xba: {  	s0 =	sor.u32 s3, s0;
	s1 =	sshll.u32 s1, $0x11  }
0xbb: {  	s0 =	sor.u32 s1, s0  }
0xbc: {  	s0 =	sadd.s32 $0x8F2B, s0  }
0xbd: {  	[sflag:s0] =	ssyncadd.remote.s32 $0x1  }
0xbe: {  	_ =	sfence.sel $0xFFFF  }
0xbf: {  	[dreg:$0x0] =	wrdreg $0xFFFFFFFF;
	(pc) =	sbr.abs _section_cstart, $3  }
0xc0: {  	[dreg:$0x1] =	wrdreg $0xFFFFFFFF  }
0xc1: {  	_ =	task.clear_ibuf [dreg:s7], $0x2FFFF;
	_ =	strace $0x9FFFFFFF  }
0xc2: {  	(tm) =	ssettm $0x7FFFFFFF  }
0xc3: {  	_ =	shalt  }
tec
execute0_lowered:
.L_overlay_start_1:
0x0: {  	(tag) =	ssettag $0x1  }
0x1: {  	s0 =	rddreg [dreg:$0x0]  }
0x2: {  	s2 =	rddreg [dreg:$0x1]  }
0x3: {  	s1 =	srdreg.scid;
	s3 =	simm.s32 $0x0;
	s9 =	stileid.u32  }
0x4: {  	s10 =	simm.s32 $0x4;
	s11 =	simm.s32 $0x3;
	s12 =	simm.s32 $0x2280  }
0x5: {  	s13 =	simm.s32 $0xA280;
	s14 =	simm.s32 $0x1;
	s15 =	simm.s32 $0x2  }
0x6: {  	s16 =	simm.s32 $0x0;
	s1 =	sand.u32 $0x1, s1;
	[smem:$0x7FF] =	sst s3  }
0x7: {  	s4 =	sshll.u32 s9, $0x4;
	s28 =	sadd.s32 $0x600, s0;
	s29 =	sshll.u32 s9, $0x10  }
0x8: {  	s30 =	sshll.u32 s9, $0x7;
	s5 =	ssub.s32 $0x2, s1;
	s6 =	sand.u32 $0xC0, s4  }
0x9: {  	_ =	strace $0x80000047;
	s7 =	sshrl.u32 s5, $0x1;
	s0 =	sadd.s32 s6, s0  }
0xa: {  	[dreg:$0x3] =	wrdreg s28;
	s8 =	ssub.s32 s5, s7;
	s0 =	sadd.s32 $0x400, s0  }
0xb: {  	s1 =	sshll.u32 s1, $0xF;
	[dreg:$0x4] =	wrdreg s0;
	s31 =	smax.u32 s8, $0x1  }
0xc: {  	s6 =	sor.u32 s1, s29;
	s7 =	sand.u32 $0x180, s30;
	[dreg:$0x5] =	wrdreg s31  }
.LBB2_1:
0xd: {  	s0 =	rddreg [dreg:$0x3]  }
0xe: {  	[tilespmem:s3], [sflag:$0x3] =	stream.linear.gather [hbm4b:s0+s3], $0x2080, $0x38;
	[tilespmem:$0x12280] =	vst v63  }
0xf: {  	s29 =	rddreg [dreg:$0x4];
	s1 =	simm.s32 $0x2080  }
0x10: {  	[tilespmem:s1], [sflag:$0x4] =	stream.linear.gather [hbm4b:s29+s3], $0x200, $0x38;
	[tilespmem:$0x12280] =	vst v63  }
0x11: {  	_ =	swait.ge [sflag:s10], $0x200  }
0x12: {  	[sflag:s10] =	ssyncset.done $0x0  }
0x13: {  	s0 =	simm.s32 $0x0;
	[sflag:s10] =	ssyncadd.s32 $0xFFFFFE00  }
0x14: {  	v1 =	vld [tilespmem:s0+$0x2080];
	_ =	sdelay $0x4  }
0x15: {  	(v2sf) =	vpush v1, $0x0  }
0x16: {  	(v2sf) =	vpush v1, $0x1;
	_ =	sdelay $0x1  }
0x17: {  	(v2sf) =	vpush v1, $0x2  }
0x18: {  	(v2sf) =	vpush v1, $0x3  }
0x19: {  	(v2sf) =	vpush v1, $0x4  }
0x1a: {  	(v2sf) =	vpush v1, $0x5  }
0x1b: {  	(v2sf) =	vpush v1, $0x6  }
0x1c: {  	(v2sf) =	vpush v1, $0x7  }
0x1d: {  	(v2sf) =	vpush v1, $0x8  }
0x1e: {  	(v2sf) =	vpush v1, $0x9  }
0x1f: {  	s17 =	simm.s32 $0x10;
	(v2sf) =	vpush v1, $0xA  }
0x20: {  	v0 =	vld [tilespmem:s17+$0x2080];
	(v2sf) =	vpush v1, $0xB  }
0x21: {  	(v2sf) =	vpush v1, $0xC  }
0x22: {  	(v2sf) =	vpush v1, $0xD  }
0x23: {  	(v2sf) =	vpush v1, $0xE;
	s30 =	spop (v2sf)  }
0x24: {  	(v2sf) =	vpush v1, $0xF;
	[smem:s0] =	sst s30;
	s31 =	spop (v2sf)  }
0x25: {  	(v2sf) =	vpush v0, $0x0;
	[smem:$0x1] =	sst s31  }
0x26: {  	s1 =	spop (v2sf)  }
0x27: {  	(v2sf) =	vpush v0, $0x1;
	[smem:$0x2] =	sst s1  }
0x28: {  	s1 =	spop (v2sf)  }
0x29: {  	(v2sf) =	vpush v0, $0x2;
	[smem:$0x3] =	sst s1  }
0x2a: {  	s1 =	spop (v2sf)  }
0x2b: {  	(v2sf) =	vpush v0, $0x3;
	[smem:$0x4] =	sst s1  }
0x2c: {  	s1 =	spop (v2sf)  }
0x2d: {  	(v2sf) =	vpush v0, $0x4;
	[smem:$0x5] =	sst s1  }
0x2e: {  	s1 =	spop (v2sf)  }
0x2f: {  	(v2sf) =	vpush v0, $0x5;
	[smem:$0x6] =	sst s1  }
0x30: {  	s1 =	spop (v2sf)  }
0x31: {  	(v2sf) =	vpush v0, $0x6;
	[smem:$0x7] =	sst s1  }
0x32: {  	s1 =	spop (v2sf)  }
0x33: {  	(v2sf) =	vpush v0, $0x7;
	[smem:$0x8] =	sst s1  }
0x34: {  	s1 =	spop (v2sf)  }
0x35: {  	(v2sf) =	vpush v0, $0x8;
	[smem:$0x9] =	sst s1  }
0x36: {  	s1 =	spop (v2sf)  }
0x37: {  	(v2sf) =	vpush v0, $0x9;
	[smem:$0xA] =	sst s1  }
0x38: {  	s1 =	spop (v2sf)  }
0x39: {  	(v2sf) =	vpush v0, $0xA;
	[smem:$0xB] =	sst s1  }
0x3a: {  	s18 =	spop (v2sf)  }
0x3b: {  	(v2sf) =	vpush v0, $0xB;
	[smem:$0xC] =	sst s18  }
0x3c: {  	s1 =	simm.s32 $0x20;
	s18 =	spop (v2sf)  }
0x3d: {  	v1 =	vld [tilespmem:s1+$0x2080];
	(v2sf) =	vpush v0, $0xC;
	[smem:$0xD] =	sst s18  }
0x3e: {  	s18 =	spop (v2sf)  }
0x3f: {  	(v2sf) =	vpush v0, $0xD;
	[smem:$0xE] =	sst s18  }
0x40: {  	s18 =	simm.s32 $0xC0;
	s19 =	spop (v2sf)  }
.LBB2_2:
0x41: {  	p0 =	sne.s32 s18, $0x7C0;
	[smem:s0+$0xF] =	sst s19;
	s19 =	smov.u32 s18  }
0x42: {  	(v2sf) =	vpush v0, $0xE;
	s18 =	sadd.s32 $0x40, s18;
	s0 =	smov.u32 s17;
	s17 =	smov.u32 s1  }
0x43: {  	s1 =	spop (v2sf);
	(v2sf) =	vpush v0, $0xF  }
0x44: {  	[smem:s0] =	sst s1;
	s1 =	spop (v2sf)  }
0x45: {  	(v2sf) =	vpush v1, $0x0;
	[smem:s0+$0x1] =	sst s1;
	s1 =	spop (v2sf);
	v0 =	vmov v1  }
0x46: {  	(v2sf) =	vpush v0, $0x1;
	[smem:s0+$0x2] =	sst s1;
	s1 =	spop (v2sf)  }
0x47: {  	(v2sf) =	vpush v0, $0x2;
	[smem:s0+$0x3] =	sst s1;
	s1 =	spop (v2sf)  }
0x48: {  	(v2sf) =	vpush v0, $0x3;
	[smem:s0+$0x4] =	sst s1;
	s1 =	spop (v2sf)  }
0x49: {  	(v2sf) =	vpush v0, $0x4;
	[smem:s0+$0x5] =	sst s1;
	s1 =	spop (v2sf)  }
0x4a: {  	(v2sf) =	vpush v0, $0x5;
	[smem:s0+$0x6] =	sst s1;
	s1 =	spop (v2sf)  }
0x4b: {  	(v2sf) =	vpush v0, $0x6;
	[smem:s0+$0x7] =	sst s1;
	s1 =	spop (v2sf)  }
0x4c: {  	(v2sf) =	vpush v0, $0x7;
	[smem:s0+$0x8] =	sst s1;
	s1 =	spop (v2sf)  }
0x4d: {  	(v2sf) =	vpush v0, $0x8;
	[smem:s0+$0x9] =	sst s1;
	s1 =	spop (v2sf)  }
0x4e: {  	[smem:s0+$0xA] =	sst s1  }
.Ltmp0:
0x4f: {  	(v2sf) =	vpush v0, $0x9;
	s1 =	spop (v2sf);
	(pc) =	sbr.rel @p0 .LBB2_2-.Ltmp0, $4  }
0x50: {  	(v2sf) =	vpush v0, $0xA;
	[smem:s0+$0xB] =	sst s1;
	s20 =	spop (v2sf)  }
0x51: {  	s1 =	sshra.s32 s19, $0x2;
	(v2sf) =	vpush v0, $0xB;
	[smem:s0+$0xC] =	sst s20;
	s19 =	spop (v2sf)  }
0x52: {  	v1 =	vld [tilespmem:s1+$0x2080];
	(v2sf) =	vpush v0, $0xC;
	[smem:s0+$0xD] =	sst s19;
	s19 =	spop (v2sf)  }
0x53: {  	(v2sf) =	vpush v0, $0xD;
	[smem:s0+$0xE] =	sst s19;
	s19 =	spop (v2sf)  }
0x54: {  	_ = 	snop  }
0x55: {  	(v2sf) =	vpush v0, $0xE  }
0x56: {  	[smem:s0+$0xF] =	sst s19;
	s9 =	spop (v2sf);
	(v2sf) =	vpush v0, $0xF  }
0x57: {  	[smem:s17] =	sst s9;
	s18 =	spop (v2sf);
	(v2sf) =	vpush v1, $0x0  }
0x58: {  	[smem:s17+$0x1] =	sst s18;
	s19 =	spop (v2sf);
	(v2sf) =	vpush v1, $0x1  }
0x59: {  	[smem:s17+$0x2] =	sst s19;
	s20 =	spop (v2sf);
	(v2sf) =	vpush v1, $0x2  }
0x5a: {  	[smem:s17+$0x3] =	sst s20;
	s21 =	spop (v2sf);
	(v2sf) =	vpush v1, $0x3  }
0x5b: {  	[smem:s17+$0x4] =	sst s21;
	s22 =	spop (v2sf);
	(v2sf) =	vpush v1, $0x4  }
0x5c: {  	[smem:s17+$0x5] =	sst s22;
	s23 =	spop (v2sf);
	(v2sf) =	vpush v1, $0x5  }
0x5d: {  	[smem:s17+$0x6] =	sst s23;
	s24 =	spop (v2sf);
	(v2sf) =	vpush v1, $0x6  }
0x5e: {  	[smem:s17+$0x7] =	sst s24;
	s25 =	spop (v2sf);
	(v2sf) =	vpush v1, $0x7  }
0x5f: {  	[smem:s17+$0x8] =	sst s25;
	s26 =	spop (v2sf);
	(v2sf) =	vpush v1, $0x8  }
0x60: {  	[smem:s17+$0x9] =	sst s26;
	s28 =	spop (v2sf);
	(v2sf) =	vpush v1, $0x9  }
0x61: {  	[smem:s17+$0xA] =	sst s28;
	s29 =	spop (v2sf);
	(v2sf) =	vpush v1, $0xA  }
0x62: {  	[smem:s17+$0xB] =	sst s29;
	s30 =	spop (v2sf);
	(v2sf) =	vpush v1, $0xB  }
0x63: {  	[smem:s17+$0xC] =	sst s30;
	s31 =	spop (v2sf);
	(v2sf) =	vpush v1, $0xC  }
0x64: {  	[smem:s17+$0xD] =	sst s31;
	s4 =	spop (v2sf);
	(v2sf) =	vpush v1, $0xD  }
0x65: {  	[smem:s17+$0xE] =	sst s4;
	s5 =	spop (v2sf);
	(v2sf) =	vpush v1, $0xE  }
0x66: {  	[smem:s17+$0xF] =	sst s5;
	s8 =	spop (v2sf);
	(v2sf) =	vpush v1, $0xF  }
0x67: {  	[smem:s1] =	sst s8;
	s9 =	spop (v2sf)  }
0x68: {  	[smem:s1+$0x1] =	sst s9;
	s17 =	spop (v2sf)  }
0x69: {  	[smem:s1+$0x2] =	sst s17;
	s18 =	spop (v2sf)  }
0x6a: {  	[smem:s1+$0x3] =	sst s18;
	s19 =	spop (v2sf)  }
0x6b: {  	[smem:s1+$0x4] =	sst s19;
	s20 =	spop (v2sf)  }
0x6c: {  	[smem:s1+$0x5] =	sst s20;
	s21 =	spop (v2sf)  }
0x6d: {  	[smem:s1+$0x6] =	sst s21;
	s22 =	spop (v2sf)  }
0x6e: {  	[smem:s1+$0x7] =	sst s22;
	s23 =	spop (v2sf)  }
0x6f: {  	[smem:s1+$0x8] =	sst s23;
	s24 =	spop (v2sf)  }
0x70: {  	[smem:s1+$0x9] =	sst s24;
	s25 =	spop (v2sf)  }
0x71: {  	[smem:s1+$0xA] =	sst s25;
	s26 =	spop (v2sf)  }
0x72: {  	[smem:s1+$0xB] =	sst s26;
	s28 =	spop (v2sf)  }
0x73: {  	[smem:s1+$0xC] =	sst s28;
	s29 =	spop (v2sf)  }
0x74: {  	[smem:s1+$0xD] =	sst s29;
	s30 =	spop (v2sf)  }
0x75: {  	[smem:s1+$0xE] =	sst s30;
	s31 =	spop (v2sf)  }
0x76: {  	[smem:s1+$0xF] =	sst s31  }
0x77: {  	_ =	swait.ge [sflag:s11], $0x2080  }
0x78: {  	[sflag:s11] =	ssyncset.done $0x0  }
0x79: {  	s17 =	simm.s32 $0x0;
	[sflag:s11] =	ssyncadd.s32 $0xFFFFDF80  }
.LBB2_4:
0x7a: {  	s0 =	sshll.u32 s17, $0x9  }
0x7b: {  	s18 =	sor.u32 s6, s0  }
0x7c: {  	p0 =	seq.s32 s17, $0x0;
	s0 =	sshrl.u32 s18, $0x9  }
0x7d: {  	s29 =	sand.u32 $0x7F, s0;
	s0 =	simm.s32 @!p0 $0x1  }
0x7e: {  	s20 =	sld [smem:s7+s29];
	_ =	swait.ge @!p0 [sflag:s0], $0x8000  }
0x7f: {  	[sflag:s0] =	ssyncset.done @!p0 $0x0  }
0x80: {  	[sflag:s0] =	ssyncadd.s32 @!p0 $0xFFFF8000  }
0x81: {  	s0 =	sld [smem:$0x3];
	_ =	sdelay $0x1  }
0x82: {  	s1 =	sld [smem:$0x1]  }
0x83: {  	s19 =	sld [smem:$0x2];
	s0 =	ssub.s32 s20, s0  }
0x84: {  	s21 =	sld [smem:$0x0];
	p1 =	sgt.s32 s0, $0xFFFFFFE0  }
0x85: {  	s0 =	simm.s32 @!p1 $0xFFFFFFE0  }
0x86: {  	p1 =	slt.s32 s0, $0x20  }
0x87: {  	s21 =	ssub.s32 s20, s21;
	s0 =	simm.s32 @!p1 $0x20  }
0x88: {  	s1 =	ssub.s32 s20, s1;
	p2 =	sgt.s32 s21, $0xFFFFFFE0;
	s0 =	sshll.u32 s0, $0x9  }
0x89: {  	s21 =	simm.s32 @!p2 $0xFFFFFFE0;
	p2 =	sgt.s32 s1, $0xFFFFFFE0;
	s0 =	sshra.s32 s0, $0x2  }
0x8a: {  	s22 =	ssub.s32 s20, s19;
	p1 =	slt.s32 s21, $0x20;
	s1 =	simm.s32 @!p2 $0xFFFFFFE0;
	v0 =	vld [tilespmem:s0+$0x1000]  }
0x8b: {  	s21 =	simm.s32 @!p1 $0x20;
	p1 =	sgt.s32 s22, $0xFFFFFFE0;
	p2 =	slt.s32 s1, $0x20  }
0x8c: {  	s4 =	sshll.u32 s21, $0x9;
	s22 =	simm.s32 @!p1 $0xFFFFFFE0;
	s1 =	simm.s32 @!p2 $0x20  }
0x8d: {  	s21 =	sshra.s32 s4, $0x2;
	p1 =	slt.s32 s22, $0x20;
	s1 =	sshll.u32 s1, $0x9  }
0x8e: {  	s19 =	simm.s32 $0x2380;
	v1 =	vld [tilespmem:s21+$0x1000];
	s22 =	simm.s32 @!p1 $0x20;
	s23 =	sshra.s32 s1, $0x2  }
0x8f: {  	s5 =	sshll.u32 s22, $0x9;
	v2 =	vld [tilespmem:s23+$0x1000];
	[tilespmem:s19+$0x80] =	vst v0  }
0x90: {  	s22 =	sshra.s32 s5, $0x2;
	v0 =	vld [tilespmem:s0+$0x1010]  }
0x91: {  	v3 =	vld [tilespmem:s22+$0x1000];
	_ =	sdelay $0x1  }
0x92: {  	[tilespmem:s19+$0xFFFFFF00] =	vst v1  }
0x93: {  	v1 =	vld [tilespmem:s21+$0x1010];
	[tilespmem:s19+$0xFFFFFF80] =	vst v2  }
0x94: {  	v2 =	vld [tilespmem:s23+$0x1010];
	[tilespmem:s19+$0x90] =	vst v0  }
0x95: {  	[tilespmem:s19+$0x0] =	vst v3;
	v0 =	vld [tilespmem:s0+$0x1020]  }
0x96: {  	v3 =	vld [tilespmem:s22+$0x1010];
	_ =	sdelay $0x1  }
0x97: {  	[tilespmem:s19+$0xFFFFFF10] =	vst v1  }
0x98: {  	v1 =	vld [tilespmem:s21+$0x1020];
	[tilespmem:s19+$0xFFFFFF90] =	vst v2  }
0x99: {  	v2 =	vld [tilespmem:s23+$0x1020];
	[tilespmem:s19+$0xA0] =	vst v0  }
0x9a: {  	[tilespmem:s19+$0x10] =	vst v3;
	v0 =	vld [tilespmem:s0+$0x1030]  }
0x9b: {  	v3 =	vld [tilespmem:s22+$0x1020];
	_ =	sdelay $0x1  }
0x9c: {  	[tilespmem:s19+$0xFFFFFF20] =	vst v1  }
0x9d: {  	v1 =	vld [tilespmem:s21+$0x1030];
	s8 =	sld [smem:$0x7];
	[tilespmem:s19+$0xFFFFFFA0] =	vst v2  }
0x9e: {  	s24 =	sld [smem:$0x5];
	v2 =	vld [tilespmem:s23+$0x1030];
	[tilespmem:s19+$0xB0] =	vst v0  }
0x9f: {  	s25 =	sld [smem:$0x6];
	[tilespmem:s19+$0x20] =	vst v3;
	v0 =	vld [tilespmem:s0+$0x1040]  }
0xa0: {  	s1 =	ssub.s32 s20, s8;
	s26 =	sld [smem:$0x4]  }
0xa1: {  	p1 =	sgt.s32 s1, $0xFFFFFFE0  }
0xa2: {  	v3 =	vld [tilespmem:s22+$0x1030];
	[tilespmem:s19+$0xFFFFFF30] =	vst v1;
	s1 =	simm.s32 @!p1 $0xFFFFFFE0  }
0xa3: {  	v1 =	vld [tilespmem:s21+$0x1040];
	p1 =	slt.s32 s1, $0x20;
	s26 =	ssub.s32 s20, s26  }
0xa4: {  	s1 =	simm.s32 @!p1 $0x20;
	p2 =	sgt.s32 s26, $0xFFFFFFE0;
	[tilespmem:s19+$0xC0] =	vst v0  }
0xa5: {  	s28 =	ssub.s32 s20, s24;
	[tilespmem:s19+$0xFFFFFFB0] =	vst v2;
	s1 =	sshll.u32 s1, $0x9;
	s26 =	simm.s32 @!p2 $0xFFFFFFE0;
	v0 =	vld [tilespmem:s0+$0x1050]  }
0xa6: {  	p1 =	sgt.s32 s28, $0xFFFFFFE0;
	v2 =	vld [tilespmem:s23+$0x1040];
	s24 =	sshra.s32 s1, $0x2;
	p2 =	slt.s32 s26, $0x20  }
0xa7: {  	s28 =	simm.s32 @!p1 $0xFFFFFFE0;
	s1 =	ssub.s32 s20, s25;
	[tilespmem:s19+$0x30] =	vst v3;
	v3 =	vld [tilespmem:s24+$0x1000];
	s26 =	simm.s32 @!p2 $0x20  }
0xa8: {  	p1 =	sgt.s32 s1, $0xFFFFFFE0;
	v4 =	vld [tilespmem:s22+$0x1040];
	p2 =	slt.s32 s28, $0x20;
	[tilespmem:s19+$0xFFFFFF40] =	vst v1;
	s9 =	sshll.u32 s26, $0x9  }
0xa9: {  	s1 =	simm.s32 @!p1 $0xFFFFFFE0;
	s28 =	simm.s32 @!p2 $0x20;
	v1 =	vld [tilespmem:s21+$0x1050];
	s31 =	sshra.s32 s9, $0x2  }
0xaa: {  	p1 =	slt.s32 s1, $0x20;
	s26 =	sshll.u32 s28, $0x9;
	v5 =	vld [tilespmem:s31+$0x1000];
	[tilespmem:s19+$0xD0] =	vst v0  }
0xab: {  	[tilespmem:s19+$0xFFFFFFC0] =	vst v2;
	s1 =	simm.s32 @!p1 $0x20;
	s28 =	simm.s32 $0x2580;
	s25 =	sshra.s32 s26, $0x2;
	v0 =	vld [tilespmem:s0+$0x1060]  }
0xac: {  	s1 =	sshll.u32 s1, $0x9;
	v2 =	vld [tilespmem:s25+$0x1000];
	[tilespmem:s28+$0x80] =	vst v3  }
0xad: {  	s26 =	sshra.s32 s1, $0x2;
	[tilespmem:s19+$0x40] =	vst v4;
	v3 =	vld [tilespmem:s24+$0x1010]  }
0xae: {  	[tilespmem:s19+$0xFFFFFF50] =	vst v1;
	v1 =	vld [tilespmem:s26+$0x1000]  }
0xaf: {  	v4 =	vld [tilespmem:s23+$0x1050];
	[tilespmem:s28+$0xFFFFFF00] =	vst v5  }
0xb0: {  	v5 =	vld [tilespmem:s31+$0x1010];
	[tilespmem:s19+$0xE0] =	vst v0  }
0xb1: {  	v7 =	vld [tilespmem:s21+$0x1060];
	[tilespmem:s28+$0xFFFFFF80] =	vst v2  }
0xb2: {  	v2 =	vld [tilespmem:s25+$0x1010];
	[tilespmem:s28+$0x90] =	vst v3  }
0xb3: {  	[tilespmem:s28+$0x0] =	vst v1;
	v1 =	vld [tilespmem:s24+$0x1020]  }
0xb4: {  	[tilespmem:s19+$0xFFFFFFD0] =	vst v4;
	v3 =	vld [tilespmem:s26+$0x1010]  }
0xb5: {  	v0 =	vld [tilespmem:s0+$0x1070];
	[tilespmem:s28+$0xFFFFFF10] =	vst v5  }
0xb6: {  	[tilespmem:s19+$0xFFFFFF60] =	vst v7;
	v6 =	vld [tilespmem:s31+$0x1020]  }
0xb7: {  	v5 =	vld [tilespmem:s22+$0x1050];
	[tilespmem:s28+$0xFFFFFF90] =	vst v2  }
0xb8: {  	v4 =	vld [tilespmem:s25+$0x1020];
	[tilespmem:s28+$0xA0] =	vst v1  }
0xb9: {  	[tilespmem:s28+$0x10] =	vst v3;
	v1 =	vld [tilespmem:s24+$0x1030]  }
0xba: {  	[tilespmem:s19+$0xF0] =	vst v0;
	v3 =	vld [tilespmem:s26+$0x1020]  }
0xbb: {  	s30 =	simm.s32 $0x2580;
	v0 =	vld [tilespmem:s23+$0x1060];
	[tilespmem:s28+$0xFFFFFF20] =	vst v6  }
0xbc: {  	s29 =	sadd.s32 s29, s7;
	s1 =	simm.s32 $0xA;
	s0 =	simm.s32 $0x4;
	[tilespmem:s19+$0x50] =	vst v5;
	v2 =	vld [tilespmem:s31+$0x1030]  }
.LBB2_5:
0xbd: {  	s9 =	sld [smem:s1+$0x1];
	s0 =	sadd.s32 $0x4, s0;
	[tilespmem:s28+$0xFFFFFFA0] =	vst v4;
	v4 =	vld [tilespmem:s22+$0x1060]  }
0xbe: {  	s4 =	sld [smem:s1+$0xFFFFFFFF];
	p1 =	slt.u32 s0, $0xFC;
	v5 =	vld [tilespmem:s25+$0x1030];
	[tilespmem:s28+$0xB0] =	vst v1  }
0xbf: {  	s5 =	sld [smem:s1+$0x0];
	[tilespmem:s28+$0x20] =	vst v3;
	v1 =	vld [tilespmem:s24+$0x1040]  }
0xc0: {  	s8 =	sld [smem:s1+$0xFFFFFFFE];
	s9 =	ssub.s32 s20, s9;
	v3 =	vld [tilespmem:s26+$0x1030];
	[tilespmem:s19+$0xFFFFFFE0] =	vst v0  }
0xc1: {  	s4 =	ssub.s32 s20, s4;
	p2 =	sgt.s32 s9, $0xFFFFFFE0;
	[tilespmem:s28+$0xFFFFFF30] =	vst v2;
	v0 =	vld [tilespmem:s21+$0x1070];
	s21 =	smov.u32 s31  }
0xc2: {  	p3 =	sgt.s32 s4, $0xFFFFFFE0;
	s5 =	ssub.s32 s20, s5;
	s9 =	simm.s32 @!p2 $0xFFFFFFE0;
	v2 =	vld [tilespmem:s21+$0x1040];
	[tilespmem:s19+$0x60] =	vst v4  }
0xc3: {  	s8 =	ssub.s32 s20, s8;
	p2 =	sgt.s32 s5, $0xFFFFFFE0;
	p4 =	slt.s32 s9, $0x20;
	[tilespmem:s28+$0xFFFFFFB0] =	vst v5;
	v4 =	vld [tilespmem:s23+$0x1070]  }
0xc4: {  	s4 =	simm.s32 @!p3 $0xFFFFFFE0;
	p5 =	sgt.s32 s8, $0xFFFFFFE0;
	s9 =	simm.s32 @!p4 $0x20;
	v5 =	vld [tilespmem:s25+$0x1040];
	[tilespmem:s28+$0xC0] =	vst v1  }
0xc5: {  	s5 =	simm.s32 @!p2 $0xFFFFFFE0;
	s8 =	simm.s32 @!p5 $0xFFFFFFE0;
	s9 =	sshll.u32 s9, $0x9;
	[tilespmem:s28+$0x30] =	vst v3;
	v1 =	vld [tilespmem:s24+$0x1050]  }
0xc6: {  	p3 =	slt.s32 s4, $0x20;
	p2 =	slt.s32 s8, $0x20;
	s9 =	sshra.s32 s9, $0x2;
	v3 =	vld [tilespmem:s26+$0x1040];
	[tilespmem:s19+$0xFFFFFF70] =	vst v0  }
0xc7: {  	s4 =	simm.s32 @!p3 $0x20;
	s8 =	simm.s32 @!p2 $0x20;
	p2 =	slt.s32 s5, $0x20;
	v0 =	vld [tilespmem:s9+$0x1000];
	[tilespmem:s28+$0xFFFFFF40] =	vst v2  }
0xc8: {  	s4 =	sshll.u32 s4, $0x9;
	s8 =	sshll.u32 s8, $0x9;
	s5 =	simm.s32 @!p2 $0x20;
	v2 =	vld [tilespmem:s21+$0x1050];
	[tilespmem:s19+$0xFFFFFFF0] =	vst v4  }
0xc9: {  	s4 =	sshra.s32 s4, $0x2;
	s31 =	sshra.s32 s8, $0x2;
	s5 =	sshll.u32 s5, $0x9;
	[tilespmem:s28+$0xFFFFFFC0] =	vst v5;
	v4 =	vld [tilespmem:s22+$0x1070]  }
0xca: {  	s23 =	smov.u32 s25;
	s25 =	smov.u32 s4;
	v5 =	vld [tilespmem:s31+$0x1000];
	s5 =	sshra.s32 s5, $0x2;
	[tilespmem:s28+$0xD0] =	vst v1  }
0xcb: {  	s22 =	smov.u32 s26;
	s28 =	sadd.s32 $0x200, s28;
	[tilespmem:s30+$0x40] =	vst v3;
	v1 =	vld [tilespmem:s24+$0x1060];
	s26 =	smov.u32 s5  }
0xcc: {  	v3 =	vld [tilespmem:s25+$0x1000];
	[tilespmem:s28+$0x80] =	vst v0  }
0xcd: {  	v0 =	vld [tilespmem:s9+$0x1010];
	[tilespmem:s30+$0xFFFFFF50] =	vst v2  }
0xce: {  	v2 =	vld [tilespmem:s26+$0x1000];
	[tilespmem:s19+$0x70] =	vst v4;
	s19 =	smov.u32 s30;
	s30 =	smov.u32 s28  }
0xcf: {  	[tilespmem:s28+$0xFFFFFF00] =	vst v5;
	v4 =	vld [tilespmem:s23+$0x1050]  }
0xd0: {  	v5 =	vld [tilespmem:s31+$0x1010];
	[tilespmem:s19+$0xE0] =	vst v1  }
0xd1: {  	[tilespmem:s28+$0xFFFFFF80] =	vst v3;
	v1 =	vld [tilespmem:s24+$0x1070];
	s24 =	smov.u32 s9  }
0xd2: {  	v3 =	vld [tilespmem:s25+$0x1010];
	[tilespmem:s28+$0x90] =	vst v0  }
0xd3: {  	[tilespmem:s28+$0x0] =	vst v2;
	v0 =	vld [tilespmem:s24+$0x1020]  }
0xd4: {  	v2 =	vld [tilespmem:s26+$0x1010];
	[tilespmem:s19+$0xFFFFFFD0] =	vst v4  }
0xd5: {  	[tilespmem:s28+$0xFFFFFF10] =	vst v5;
	v5 =	vld [tilespmem:s22+$0x1050]  }
0xd6: {  	v6 =	vld [tilespmem:s31+$0x1020];
	[tilespmem:s19+$0xF0] =	vst v1  }
0xd7: {  	[tilespmem:s28+$0xFFFFFF90] =	vst v3;
	v7 =	vld [tilespmem:s21+$0x1060]  }
.Ltmp1:
0xd8: {  	v4 =	vld [tilespmem:s25+$0x1020];
	[tilespmem:s28+$0xA0] =	vst v0;
	(pc) =	sbr.rel @p1 .LBB2_5-.Ltmp1, $4  }
0xd9: {  	[tilespmem:s28+$0x10] =	vst v2;
	v1 =	vld [tilespmem:s24+$0x1030]  }
0xda: {  	v3 =	vld [tilespmem:s26+$0x1020];
	[tilespmem:s19+$0x50] =	vst v5  }
0xdb: {  	[tilespmem:s28+$0xFFFFFF20] =	vst v6;
	v0 =	vld [tilespmem:s23+$0x1060]  }
0xdc: {  	s1 =	sadd.s32 $0x4, s1;
	v2 =	vld [tilespmem:s31+$0x1030];
	[tilespmem:s19+$0xFFFFFF60] =	vst v7  }
0xdd: {  	_ = 	snop  }
0xde: {  	[tilespmem:s28+$0xFFFFFFA0] =	vst v4  }
0xdf: {  	v4 =	vld [tilespmem:s25+$0x1030];
	[tilespmem:s28+$0x20] =	vst v3  }
0xe0: {  	v3 =	vld [tilespmem:s26+$0x1030];
	_ =	sdelay $0x1  }
0xe1: {  	[tilespmem:s28+$0xB0] =	vst v1  }
0xe2: {  	v1 =	vld [tilespmem:s24+$0x1040];
	[tilespmem:s28+$0xFFFFFF30] =	vst v2  }
0xe3: {  	v2 =	vld [tilespmem:s31+$0x1040];
	[tilespmem:s28+$0xFFFFFFB0] =	vst v4  }
0xe4: {  	v4 =	vld [tilespmem:s25+$0x1040];
	[tilespmem:s28+$0x30] =	vst v3  }
0xe5: {  	v3 =	vld [tilespmem:s26+$0x1040];
	_ =	sdelay $0x1  }
0xe6: {  	[tilespmem:s28+$0xC0] =	vst v1  }
0xe7: {  	v1 =	vld [tilespmem:s24+$0x1050];
	[tilespmem:s28+$0xFFFFFF40] =	vst v2  }
0xe8: {  	v2 =	vld [tilespmem:s31+$0x1050];
	[tilespmem:s28+$0xFFFFFFC0] =	vst v4  }
0xe9: {  	[tilespmem:s30+$0x40] =	vst v3;
	v3 =	vld [tilespmem:s25+$0x1050]  }
0xea: {  	v4 =	vld [tilespmem:s26+$0x1050]  }
0xeb: {  	v5 =	vld [tilespmem:s22+$0x1060];
	[tilespmem:s19+$0xFFFFFFE0] =	vst v0  }
0xec: {  	v0 =	vld [tilespmem:s21+$0x1070];
	[tilespmem:s28+$0xD0] =	vst v1  }
0xed: {  	v1 =	vld [tilespmem:s24+$0x1060];
	[tilespmem:s30+$0xFFFFFF50] =	vst v2  }
0xee: {  	v2 =	vld [tilespmem:s31+$0x1060];
	[tilespmem:s30+$0xFFFFFFD0] =	vst v3  }
0xef: {  	[tilespmem:s30+$0x50] =	vst v4;
	v3 =	vld [tilespmem:s25+$0x1060]  }
0xf0: {  	[tilespmem:s19+$0x60] =	vst v5;
	v4 =	vld [tilespmem:s26+$0x1060]  }
0xf1: {  	v5 =	vld [tilespmem:s23+$0x1070];
	[tilespmem:s19+$0xFFFFFF70] =	vst v0  }
0xf2: {  	v0 =	vld [tilespmem:s22+$0x1070];
	[tilespmem:s30+$0xE0] =	vst v1  }
0xf3: {  	v1 =	vld [tilespmem:s24+$0x1070];
	[tilespmem:s30+$0xFFFFFF60] =	vst v2  }
0xf4: {  	v2 =	vld [tilespmem:s31+$0x1070];
	[tilespmem:s30+$0xFFFFFFE0] =	vst v3  }
0xf5: {  	[tilespmem:s30+$0x60] =	vst v4;
	v3 =	vld [tilespmem:s25+$0x1070]  }
0xf6: {  	[tilespmem:s19+$0xFFFFFFF0] =	vst v5;
	v4 =	vld [tilespmem:s26+$0x1070]  }
0xf7: {  	[tilespmem:s19+$0x70] =	vst v0  }
0xf8: {  	[tilespmem:s30+$0xF0] =	vst v1  }
0xf9: {  	[tilespmem:s30+$0xFFFFFF70] =	vst v2  }
0xfa: {  	s18 =	sshll.u32 s18, $0x4;
	[tilespmem:s30+$0xFFFFFFF0] =	vst v3  }
0xfb: {  	s0 =	sadd.s32 s2, s18;
	[tilespmem:s30+$0x70] =	vst v4  }
0xfc: {  	[hbm4b:s0+s3] =	stream.linear.scatter [tilespmem:s12], [sflag:$0x1], $0x8000, $0x38;
	[tilespmem:$0x12280] =	vst v63  }
0xfd: {  	s0 =	simm.s32 @!p0 $0x2  }
0xfe: {  	s23 =	sld [smem:s29+$0x0];
	_ =	swait.ge @!p0 [sflag:s0], $0x8000  }
0xff: {  	[sflag:s0] =	ssyncset.done @!p0 $0x0  }
0x100: {  	[sflag:s0] =	ssyncadd.s32 @!p0 $0xFFFF8000  }
0x101: {  	s0 =	sld [smem:$0x101];
	_ =	sdelay $0x2  }
0x102: {  	s0 =	ssub.s32 s23, s0  }
0x103: {  	p0 =	sgt.s32 s0, $0xFFFFFFE0  }
0x104: {  	s0 =	simm.s32 @!p0 $0xFFFFFFE0  }
0x105: {  	p0 =	slt.s32 s0, $0x20  }
0x106: {  	s0 =	simm.s32 @!p0 $0x20  }
0x107: {  	s31 =	simm.s32 $0x0;
	s0 =	sshll.u32 s0, $0x9  }
0x108: {  	s19 =	sshra.s32 s0, $0x2;
	s0 =	sand.u32 $0xFC, s31  }
0x109: {  	v0 =	vld [tilespmem:s19+$0x1000];
	s1 =	sld [smem:$0x102];
	s0 =	sor.u32 $0x100, s0  }
0x10a: {  	s0 =	sld [smem:s0+$0x0];
	_ =	sdelay $0x2  }
0x10b: {  	s0 =	ssub.s32 s23, s0  }
0x10c: {  	s4 =	sld [smem:$0x103];
	p0 =	sgt.s32 s0, $0xFFFFFFE0  }
0x10d: {  	s0 =	simm.s32 @!p0 $0xFFFFFFE0  }
0x10e: {  	s1 =	ssub.s32 s23, s1;
	p0 =	slt.s32 s0, $0x20  }
0x10f: {  	s4 =	ssub.s32 s23, s4;
	s0 =	simm.s32 @!p0 $0x20;
	p0 =	sgt.s32 s1, $0xFFFFFFE0  }
0x110: {  	s0 =	sshll.u32 s0, $0x9;
	s1 =	simm.s32 @!p0 $0xFFFFFFE0;
	p0 =	sgt.s32 s4, $0xFFFFFFE0  }
0x111: {  	s25 =	sshra.s32 s0, $0x2;
	p1 =	slt.s32 s1, $0x20;
	s4 =	simm.s32 @!p0 $0xFFFFFFE0  }
0x112: {  	v1 =	vld [tilespmem:s25+$0x1000];
	s1 =	simm.s32 @!p1 $0x20;
	p0 =	slt.s32 s4, $0x20  }
0x113: {  	s1 =	sshll.u32 s1, $0x9;
	s4 =	simm.s32 @!p0 $0x20  }
0x114: {  	s21 =	sshra.s32 s1, $0x2;
	s5 =	sshll.u32 s4, $0x9  }
0x115: {  	v2 =	vld [tilespmem:s21+$0x1000];
	s22 =	sshra.s32 s5, $0x2  }
0x116: {  	s20 =	simm.s32 $0xA380;
	v3 =	vld [tilespmem:s22+$0x1000]  }
0x117: {  	[tilespmem:s20+$0xFFFFFF00] =	vst v1  }
0x118: {  	s8 =	sld [smem:$0x105];
	v1 =	vld [tilespmem:s25+$0x1010];
	[tilespmem:s20+$0xFFFFFF80] =	vst v0  }
0x119: {  	v0 =	vld [tilespmem:s19+$0x1010]  }
0x11a: {  	[tilespmem:s20+$0x0] =	vst v2  }
0x11b: {  	v2 =	vld [tilespmem:s21+$0x1010];
	[tilespmem:s20+$0x80] =	vst v3  }
0x11c: {  	s0 =	ssub.s32 s23, s8;
	v3 =	vld [tilespmem:s22+$0x1010]  }
0x11d: {  	p0 =	sgt.s32 s0, $0xFFFFFFE0;
	[tilespmem:s20+$0xFFFFFF10] =	vst v1  }
0x11e: {  	s0 =	simm.s32 @!p0 $0xFFFFFFE0;
	v1 =	vld [tilespmem:s25+$0x1020];
	[tilespmem:s20+$0xFFFFFF90] =	vst v0  }
0x11f: {  	p0 =	slt.s32 s0, $0x20;
	v4 =	vld [tilespmem:s19+$0x1020]  }
0x120: {  	s0 =	simm.s32 @!p0 $0x20;
	[tilespmem:s20+$0x10] =	vst v2  }
0x121: {  	s0 =	sshll.u32 s0, $0x9;
	v2 =	vld [tilespmem:s21+$0x1020];
	[tilespmem:s20+$0x90] =	vst v3  }
0x122: {  	s24 =	sshra.s32 s0, $0x2;
	v3 =	vld [tilespmem:s22+$0x1020]  }
0x123: {  	v0 =	vld [tilespmem:s24+$0x1000];
	[tilespmem:s20+$0xFFFFFF20] =	vst v1  }
0x124: {  	v1 =	vld [tilespmem:s25+$0x1030];
	[tilespmem:s20+$0xFFFFFFA0] =	vst v4  }
0x125: {  	s30 =	simm.s32 $0x4;
	s9 =	sld [smem:$0x106];
	v4 =	vld [tilespmem:s19+$0x1030]  }
0x126: {  	s26 =	sand.u32 $0xFC, s30;
	[tilespmem:s20+$0x20] =	vst v2  }
0x127: {  	s1 =	sor.u32 $0x100, s26;
	v2 =	vld [tilespmem:s21+$0x1030];
	[tilespmem:s20+$0xA0] =	vst v3  }
0x128: {  	s1 =	sld [smem:s1+$0x0];
	v3 =	vld [tilespmem:s22+$0x1030];
	s0 =	ssub.s32 s23, s9  }
0x129: {  	[tilespmem:s20+$0xFFFFFF30] =	vst v1;
	p0 =	sgt.s32 s0, $0xFFFFFFE0  }
0x12a: {  	v1 =	vld [tilespmem:s25+$0x1040];
	[tilespmem:s20+$0xFFFFFFB0] =	vst v4;
	s0 =	simm.s32 @!p0 $0xFFFFFFE0  }
0x12b: {  	s1 =	ssub.s32 s23, s1;
	s31 =	sld [smem:$0x107];
	p0 =	slt.s32 s0, $0x20;
	v4 =	vld [tilespmem:s19+$0x1040]  }
0x12c: {  	p1 =	sgt.s32 s1, $0xFFFFFFE0;
	[tilespmem:s20+$0x30] =	vst v2;
	s0 =	simm.s32 @!p0 $0x20  }
0x12d: {  	s1 =	simm.s32 @!p1 $0xFFFFFFE0;
	v2 =	vld [tilespmem:s21+$0x1040];
	[tilespmem:s20+$0xB0] =	vst v3;
	s0 =	sshll.u32 s0, $0x9  }
0x12e: {  	p0 =	slt.s32 s1, $0x20;
	v5 =	vld [tilespmem:s22+$0x1040];
	s28 =	sshra.s32 s0, $0x2;
	s0 =	ssub.s32 s23, s31  }
0x12f: {  	s1 =	simm.s32 @!p0 $0x20;
	v3 =	vld [tilespmem:s28+$0x1000];
	p0 =	sgt.s32 s0, $0xFFFFFFE0;
	[tilespmem:s20+$0xFFFFFF40] =	vst v1  }
0x130: {  	s1 =	sshll.u32 s1, $0x9;
	s0 =	simm.s32 @!p0 $0xFFFFFFE0;
	v1 =	vld [tilespmem:s25+$0x1050];
	[tilespmem:s20+$0xFFFFFFC0] =	vst v4  }
0x131: {  	s1 =	sshra.s32 s1, $0x2;
	p0 =	slt.s32 s0, $0x20;
	v7 =	vld [tilespmem:s19+$0x1050]  }
0x132: {  	v8 =	vld [tilespmem:s1+$0x1000];
	[tilespmem:s20+$0x40] =	vst v2;
	s0 =	simm.s32 @!p0 $0x20  }
0x133: {  	[tilespmem:s20+$0xC0] =	vst v5;
	s0 =	sshll.u32 s0, $0x9;
	v4 =	vld [tilespmem:s21+$0x1050]  }
0x134: {  	s29 =	sshra.s32 s0, $0x2;
	v2 =	vld [tilespmem:s22+$0x1050]  }
0x135: {  	v6 =	vld [tilespmem:s29+$0x1000];
	[tilespmem:s20+$0xFFFFFF50] =	vst v1  }
0x136: {  	s26 =	simm.s32 $0xA580;
	v5 =	vld [tilespmem:s25+$0x1060];
	[tilespmem:s20+$0xFFFFFFD0] =	vst v7  }
0x137: {  	s0 =	simm.s32 $0x10B;
	[tilespmem:s26+$0xFFFFFF00] =	vst v8;
	v1 =	vld [tilespmem:s19+$0x1060]  }
.LBB2_7:
0x138: {  	s4 =	sld [smem:s0+$0xFFFFFFFE];
	v7 =	vld [tilespmem:s1+$0x1010];
	[tilespmem:s26+$0xFFFFFF80] =	vst v0  }
0x139: {  	v0 =	vld [tilespmem:s24+$0x1010];
	[tilespmem:s26+$0x0] =	vst v3  }
0x13a: {  	v3 =	vld [tilespmem:s28+$0x1010];
	[tilespmem:s26+$0x80] =	vst v6  }
0x13b: {  	s4 =	ssub.s32 s23, s4;
	v6 =	vld [tilespmem:s29+$0x1010];
	[tilespmem:s20+$0xFFFFFF60] =	vst v5  }
0x13c: {  	p0 =	sgt.s32 s4, $0xFFFFFFE0;
	v5 =	vld [tilespmem:s25+$0x1070];
	[tilespmem:s20+$0x50] =	vst v4;
	s25 =	smov.u32 s1  }
0x13d: {  	s4 =	simm.s32 @!p0 $0xFFFFFFE0;
	[tilespmem:s26+$0xFFFFFF10] =	vst v7;
	v4 =	vld [tilespmem:s21+$0x1060]  }
0x13e: {  	p0 =	slt.s32 s4, $0x20;
	v7 =	vld [tilespmem:s25+$0x1020];
	[tilespmem:s26+$0xFFFFFF90] =	vst v0  }
0x13f: {  	s4 =	simm.s32 @!p0 $0x20;
	v8 =	vld [tilespmem:s24+$0x1020];
	[tilespmem:s26+$0x10] =	vst v3  }
0x140: {  	s1 =	sshll.u32 s4, $0x9;
	v3 =	vld [tilespmem:s28+$0x1020];
	[tilespmem:s26+$0x90] =	vst v6  }
0x141: {  	s1 =	sshra.s32 s1, $0x2;
	v6 =	vld [tilespmem:s29+$0x1020];
	[tilespmem:s20+$0xFFFFFF70] =	vst v5  }
0x142: {  	v0 =	vld [tilespmem:s1+$0x1000];
	[tilespmem:s20+$0xD0] =	vst v2  }
0x143: {  	[tilespmem:s26+$0xFFFFFF20] =	vst v7;
	v2 =	vld [tilespmem:s22+$0x1060]  }
0x144: {  	v5 =	vld [tilespmem:s25+$0x1030];
	[tilespmem:s26+$0xFFFFFFA0] =	vst v8  }
0x145: {  	s30 =	sadd.s32 $0x4, s30;
	s4 =	sld [smem:s0+$0xFFFFFFFF];
	v7 =	vld [tilespmem:s24+$0x1030];
	[tilespmem:s26+$0x20] =	vst v3  }
0x146: {  	s5 =	sand.u32 $0xFC, s30;
	p0 =	slt.u32 s30, $0xFC;
	v3 =	vld [tilespmem:s28+$0x1030];
	[tilespmem:s26+$0xA0] =	vst v6  }
0x147: {  	s5 =	sor.u32 $0x100, s5;
	v6 =	vld [tilespmem:s29+$0x1030];
	[tilespmem:s20+$0xFFFFFFE0] =	vst v1  }
0x148: {  	s5 =	sld [smem:s5+$0x0];
	s4 =	ssub.s32 s23, s4;
	v1 =	vld [tilespmem:s19+$0x1070];
	[tilespmem:s20+$0x60] =	vst v4;
	s19 =	smov.u32 s24  }
0x149: {  	s24 =	smov.u32 s1;
	p1 =	sgt.s32 s4, $0xFFFFFFE0;
	[tilespmem:s26+$0xFFFFFF30] =	vst v5;
	v5 =	vld [tilespmem:s21+$0x1070];
	s21 =	smov.u32 s28  }
0x14a: {  	s4 =	simm.s32 @!p1 $0xFFFFFFE0;
	v4 =	vld [tilespmem:s25+$0x1040];
	[tilespmem:s26+$0xFFFFFFB0] =	vst v7  }
0x14b: {  	s1 =	ssub.s32 s23, s5;
	p1 =	slt.s32 s4, $0x20;
	s5 =	sld [smem:s0+$0x0];
	v7 =	vld [tilespmem:s19+$0x1040];
	[tilespmem:s26+$0x30] =	vst v3  }
0x14c: {  	p2 =	sgt.s32 s1, $0xFFFFFFE0;
	s4 =	simm.s32 @!p1 $0x20;
	v8 =	vld [tilespmem:s21+$0x1040];
	[tilespmem:s26+$0xB0] =	vst v6  }
0x14d: {  	s1 =	simm.s32 @!p2 $0xFFFFFFE0;
	s4 =	sshll.u32 s4, $0x9;
	v6 =	vld [tilespmem:s29+$0x1040];
	[tilespmem:s20+$0xE0] =	vst v2  }
0x14e: {  	p1 =	slt.s32 s1, $0x20;
	s28 =	sshra.s32 s4, $0x2;
	s4 =	ssub.s32 s23, s5;
	[tilespmem:s20+$0xFFFFFFF0] =	vst v1;
	v1 =	vld [tilespmem:s22+$0x1070]  }
0x14f: {  	s22 =	smov.u32 s29;
	s1 =	simm.s32 @!p1 $0x20;
	v3 =	vld [tilespmem:s28+$0x1000];
	p1 =	sgt.s32 s4, $0xFFFFFFE0;
	[tilespmem:s26+$0xFFFFFF40] =	vst v4  }
0x150: {  	s1 =	sshll.u32 s1, $0x9;
	s4 =	simm.s32 @!p1 $0xFFFFFFE0;
	v9 =	vld [tilespmem:s25+$0x1050];
	[tilespmem:s26+$0xFFFFFFC0] =	vst v7  }
0x151: {  	s1 =	sshra.s32 s1, $0x2;
	p1 =	slt.s32 s4, $0x20;
	v7 =	vld [tilespmem:s19+$0x1050];
	[tilespmem:s26+$0x40] =	vst v8  }
0x152: {  	v8 =	vld [tilespmem:s1+$0x1000];
	s4 =	simm.s32 @!p1 $0x20;
	[tilespmem:s26+$0xC0] =	vst v6  }
.Ltmp2:
0x153: {  	s4 =	sshll.u32 s4, $0x9;
	v4 =	vld [tilespmem:s21+$0x1050];
	[tilespmem:s20+$0x70] =	vst v5;
	(pc) =	sbr.rel @p0 .LBB2_7-.Ltmp2, $4  }
0x154: {  	s29 =	sshra.s32 s4, $0x2;
	v2 =	vld [tilespmem:s22+$0x1050];
	[tilespmem:s20+$0xF0] =	vst v1;
	s20 =	smov.u32 s26  }
0x155: {  	v6 =	vld [tilespmem:s29+$0x1000];
	[tilespmem:s26+$0xFFFFFF50] =	vst v9  }
0x156: {  	s26 =	sadd.s32 $0x200, s26;
	v5 =	vld [tilespmem:s25+$0x1060];
	[tilespmem:s20+$0xFFFFFFD0] =	vst v7  }
0x157: {  	s0 =	sadd.s32 $0x4, s0;
	[tilespmem:s26+$0xFFFFFF00] =	vst v8;
	v1 =	vld [tilespmem:s19+$0x1060]  }
0x158: {  	v7 =	vld [tilespmem:s1+$0x1010];
	[tilespmem:s26+$0xFFFFFF80] =	vst v0  }
0x159: {  	[tilespmem:s26+$0x0] =	vst v3;
	v0 =	vld [tilespmem:s24+$0x1010]  }
0x15a: {  	v3 =	vld [tilespmem:s28+$0x1010];
	[tilespmem:s26+$0x80] =	vst v6  }
0x15b: {  	v6 =	vld [tilespmem:s29+$0x1010];
	_ =	sdelay $0x1  }
0x15c: {  	[tilespmem:s26+$0xFFFFFF10] =	vst v7  }
0x15d: {  	v7 =	vld [tilespmem:s1+$0x1020];
	[tilespmem:s26+$0xFFFFFF90] =	vst v0  }
0x15e: {  	[tilespmem:s26+$0x10] =	vst v3;
	v0 =	vld [tilespmem:s24+$0x1020]  }
0x15f: {  	v3 =	vld [tilespmem:s28+$0x1020];
	[tilespmem:s26+$0x90] =	vst v6  }
0x160: {  	v6 =	vld [tilespmem:s29+$0x1020];
	_ =	sdelay $0x1  }
0x161: {  	[tilespmem:s26+$0xFFFFFF20] =	vst v7  }
0x162: {  	v7 =	vld [tilespmem:s1+$0x1030];
	[tilespmem:s26+$0xFFFFFFA0] =	vst v0  }
0x163: {  	[tilespmem:s26+$0x20] =	vst v3;
	v0 =	vld [tilespmem:s24+$0x1030]  }
0x164: {  	v3 =	vld [tilespmem:s28+$0x1030];
	[tilespmem:s26+$0xA0] =	vst v6  }
0x165: {  	[tilespmem:s20+$0x50] =	vst v4;
	v55 =	vld [tilespmem:s29+$0x1030]  }
0x166: {  	[tilespmem:s20+$0xD0] =	vst v2  }
0x167: {  	[tilespmem:s26+$0xFFFFFF30] =	vst v7  }
0x168: {  	v57 =	vld [tilespmem:s1+$0x1040];
	[tilespmem:s26+$0xFFFFFFB0] =	vst v0  }
0x169: {  	[tilespmem:s26+$0x30] =	vst v3;
	v0 =	vld [tilespmem:s24+$0x1040]  }
0x16a: {  	v3 =	vld [tilespmem:s28+$0x1040];
	[tilespmem:s26+$0xB0] =	vst v55  }
0x16b: {  	[tilespmem:s20+$0xFFFFFF60] =	vst v5;
	v5 =	vld [tilespmem:s29+$0x1040]  }
0x16c: {  	v58 =	vld [tilespmem:s21+$0x1060];
	[tilespmem:s20+$0xFFFFFFE0] =	vst v1  }
0x16d: {  	v60 =	vld [tilespmem:s22+$0x1060];
	[tilespmem:s26+$0xFFFFFF40] =	vst v57  }
0x16e: {  	v4 =	vld [tilespmem:s1+$0x1050];
	[tilespmem:s26+$0xFFFFFFC0] =	vst v0  }
0x16f: {  	[tilespmem:s26+$0x40] =	vst v3;
	v0 =	vld [tilespmem:s24+$0x1050]  }
0x170: {  	v3 =	vld [tilespmem:s28+$0x1050];
	[tilespmem:s26+$0xC0] =	vst v5  }
0x171: {  	[tilespmem:s20+$0x60] =	vst v58;
	v59 =	vld [tilespmem:s29+$0x1050]  }
0x172: {  	v56 =	vld [tilespmem:s25+$0x1070];
	[tilespmem:s20+$0xE0] =	vst v60  }
0x173: {  	v61 =	vld [tilespmem:s19+$0x1070];
	[tilespmem:s26+$0xFFFFFF50] =	vst v4  }
0x174: {  	v4 =	vld [tilespmem:s1+$0x1060];
	[tilespmem:s26+$0xFFFFFFD0] =	vst v0  }
0x175: {  	[tilespmem:s26+$0x50] =	vst v3;
	v0 =	vld [tilespmem:s24+$0x1060]  }
0x176: {  	v3 =	vld [tilespmem:s28+$0x1060];
	[tilespmem:s26+$0xD0] =	vst v59  }
0x177: {  	[tilespmem:s20+$0xFFFFFF70] =	vst v56;
	v1 =	vld [tilespmem:s29+$0x1060]  }
0x178: {  	v62 =	vld [tilespmem:s21+$0x1070];
	[tilespmem:s20+$0xFFFFFFF0] =	vst v61  }
0x179: {  	v63 =	vld [tilespmem:s22+$0x1070];
	[tilespmem:s26+$0xFFFFFF60] =	vst v4  }
0x17a: {  	v4 =	vld [tilespmem:s1+$0x1070];
	[tilespmem:s26+$0xFFFFFFE0] =	vst v0  }
0x17b: {  	[tilespmem:s26+$0x60] =	vst v3;
	v0 =	vld [tilespmem:s24+$0x1070]  }
0x17c: {  	v3 =	vld [tilespmem:s28+$0x1070];
	[tilespmem:s26+$0xE0] =	vst v1  }
0x17d: {  	s17 =	sadd.s32 $0x1, s17;
	[tilespmem:s20+$0x70] =	vst v62;
	v1 =	vld [tilespmem:s29+$0x1070]  }
0x17e: {  	p0 =	sne.s32 s17, $0x40;
	[tilespmem:s20+$0xF0] =	vst v63  }
.Ltmp3:
0x17f: {  	[tilespmem:s26+$0xFFFFFF70] =	vst v4;
	(pc) =	sbr.rel @p0 .LBB2_4-.Ltmp3, $4  }
0x180: {  	[tilespmem:s26+$0xFFFFFFF0] =	vst v0  }
0x181: {  	s0 =	sadd.s32 s18, s2;
	[tilespmem:s26+$0x70] =	vst v3  }
0x182: {  	s0 =	sadd.s32 $0x1000, s0;
	[tilespmem:s26+$0xF0] =	vst v1  }
0x183: {  	[hbm4b:s0+s3] =	stream.linear.scatter [tilespmem:s13], [sflag:$0x2], $0x8000, $0x38;
	[tilespmem:$0x12280] =	vst v63  }
0x184: {  	_ =	swait.ge [sflag:s14], $0x8000  }
0x185: {  	[sflag:s14] =	ssyncset.done $0x0  }
0x186: {  	[sflag:s14] =	ssyncadd.s32 $0xFFFF8000  }
0x187: {  	_ =	swait.ge [sflag:s15], $0x8000  }
0x188: {  	s16 =	sadd.s32 $0x1, s16;
	s0 =	rddreg [dreg:$0x5]  }
0x189: {  	p0 =	sne.s32 s16, s0  }
.Ltmp4:
0x18a: {  	_ = 	snop;
	(pc) =	sbr.rel @p0 .LBB2_1-.Ltmp4, $3  }
0x18b: {  	_ =	sdelay $0x1  }
0x18c: {  	[sflag:s15] =	ssyncset.done $0x0  }
0x18d: {  	[sflag:s15] =	ssyncadd.s32 $0xFFFF8000  }
0x18e: {  	_ =	sfence.sel $0x180000  }
0x18f: {  	[bflag:$0x0] =	sbarrier.arrive $0xFFFF  }
0x190: {  	_ =	strace $0x90000047  }
0x191: {  	s0 =	stileid.u32;
	[bflag:$0x2] =	sbarrier.arrive $0xFFFF  }
0x192: {  	p0 =	sne.s32 s0, $0x0;
	s0 =	rddreg [dreg:$0x2]  }
0x193: {  	s0 =	sadd.s32 @!p0 $0x100000, s0  }
0x194: {  	[sflag:s0] =	ssyncadd.tile.s32 @!p0 $0x1;
	_ =	shalt  }
.Lfunc_end2:
_tile_overlayer_lowered:
.L_overlay_start_2:
0x195: {  	(tag) =	ssettag $0x2  }
0x196: {  	s0 =	rddreg [dreg:$0x0];
	s2 =	stileid.u32  }
0x197: {  	s1 =	rddreg [dreg:$0x1];
	p0 =	sne.s32 s2, $0x0  }
0x198: {  	s3 =	rddreg [dreg:$0x2];
	[bflag:$0x3] =	sbarrier.arrive $0xFFFF;
	s2 =	simm.s32 @!p0 $0x1C04  }
0x199: {  	[timem:s3], [sflag:s2] =	dma.local @!p0 [hbm:s0], s1  }
0x19a: {  	s0 =	simm.s32 @!p0 $0x4  }
0x19b: {  	_ =	swait.ge @!p0 [sflag:s0], s1  }
0x19c: {  	s1 =	ssub.s32 @!p0 $0x0, s1;
	[sflag:s0] =	ssyncset.done @!p0 $0x0  }
0x19d: {  	[sflag:s0] =	ssyncadd.s32 @!p0 s1  }
0x19e: {  	[bflag:$0x3] =	sbarrier.arrive $0xFFFF  }
0x19f: {  	_ =	shalt  }

</sc_bundles>
